<compile_context>
chip_gen: v7x
topology: tpu7x:2x2x1
jax: 0.10.2.dev20260603
libtpu: 0.0.44.dev20260713+nightly
codegen_flags: <defaults>
</compile_context>

<pallas_src>
import functools
import math

import jax
import jax.numpy as jnp
from jax import lax
from jax.experimental import pallas as pl
from jax.experimental.pallas import tpu as pltpu
from jax.experimental.pallas import tpu_sc as plsc

_NC = 2
_NS = 16
_NW = _NC * _NS
_L = 16


def _gate_block(x_ref, w_ref, idx_ref, gate_ref, *, bt, num_experts):
    x = x_ref[...]
    w = w_ref[...]
    logits = jax.lax.dot_general(
        x, w, (((1,), (1,)), ((), ())), preferred_element_type=jnp.float32)

    m = jnp.max(logits, axis=1, keepdims=True)
    eiota = jax.lax.broadcasted_iota(jnp.int32, logits.shape, 1)
    idx = jnp.min(jnp.where(logits == m, eiota, num_experts), axis=1)
    gate = 1.0 / jnp.sum(jnp.exp(logits - m), axis=1)

    idx_ref[...] = idx.reshape(1, 1, bt)
    gate_ref[...] = gate.reshape(1, 1, bt)


def _tc_gate(input, W, bt):
    tokens, model_dim = input.shape
    num_experts = W.shape[0]
    nblk = tokens // bt
    body = functools.partial(_gate_block, bt=bt, num_experts=num_experts)
    return pl.pallas_call(
        body,
        grid=(nblk,),
        in_specs=[
            pl.BlockSpec((bt, model_dim), lambda i: (i, 0)),
            pl.BlockSpec((num_experts, model_dim), lambda i: (0, 0)),
        ],
        out_specs=[
            pl.BlockSpec((1, 1, bt), lambda i: (i, 0, 0)),
            pl.BlockSpec((1, 1, bt), lambda i: (i, 0, 0)),
        ],
        out_shape=[
            jax.ShapeDtypeStruct((nblk, 1, bt), jnp.int32),
            jax.ShapeDtypeStruct((nblk, 1, bt), jnp.float32),
        ],
    )(input, W)


def _make_sc_1core(tokens, num_experts):
    tpw = tokens // _NS
    ngrp = tpw // _L
    mesh = plsc.VectorSubcoreMesh(core_axis_name="c", subcore_axis_name="s")

    @functools.partial(
        pl.kernel, mesh=mesh,
        compiler_params=pltpu.CompilerParams(needs_layout_passes=False),
        out_type=jax.ShapeDtypeStruct((tokens,), jnp.int32),
        scratch_types=[pltpu.VMEM((tpw,), jnp.int32),
                       pltpu.VMEM((tpw,), jnp.int32),
                       pltpu.VMEM((num_experts,), jnp.int32),
                       pltpu.VMEM((_NS * num_experts,), jnp.int32),
                       pltpu.VMEM((num_experts,), jnp.int32),
                       pltpu.VMEM_SHARED((_NS * num_experts,), jnp.int32)],
    )
    def sc_loc(idx_hbm, loc_hbm, idx_v, pos_v, hist_v, rows_v, offs_v,
               shared):
        c = lax.axis_index("c")
        s = lax.axis_index("s")

        @pl.when(c == 0)
        def _():
            base = s * tpw
            pltpu.sync_copy(idx_hbm.at[pl.ds(base, tpw)], idx_v)
            zeros16 = jnp.zeros((_L,), jnp.int32)
            for j in range(num_experts // _L):
                hist_v[pl.ds(j * _L, _L)] = zeros16
            iota16 = lax.iota(jnp.int32, _L)

            def body(g, carry):
                idx16 = idx_v[pl.ds(g * _L, _L)]
                rank = jnp.zeros((_L,), jnp.int32)
                fwd = jnp.zeros((_L,), jnp.int32)
                for sh in range(1, _L):
                    jb = jnp.maximum(iota16 - sh, 0)
                    xb = idx16.at[jb].get(mode="promise_in_bounds")
                    rank = rank + (jnp.where(iota16 >= sh, 1, 0) *
                                   jnp.where(xb == idx16, 1, 0))
                    jf = jnp.minimum(iota16 + sh, _L - 1)
                    xf = idx16.at[jf].get(mode="promise_in_bounds")
                    fwd = fwd + (jnp.where(iota16 < _L - sh, 1, 0) *
                                 jnp.where(xf == idx16, 1, 0))
                old = plsc.load_gather(hist_v, [idx16])
                pos_v[pl.ds(g * _L, _L)] = old + rank
                plsc.store_scatter(hist_v, [idx16], old + rank + 1,
                                   mask=(fwd == 0))
                return carry

            lax.fori_loop(0, ngrp, body, 0)
            pltpu.sync_copy(hist_v, shared.at[pl.ds(s * num_experts,
                                                    num_experts)])
            plsc.subcore_barrier()
            pltpu.sync_copy(shared, rows_v)
            for j in range(num_experts // _L):
                acc = jnp.zeros((_L,), jnp.int32)
                for sp in range(_NS):
                    acc = acc + (rows_v[pl.ds(sp * num_experts + j * _L, _L)] *
                                 jnp.where(sp < s, 1, 0))
                offs_v[pl.ds(j * _L, _L)] = acc

            def obody(g, carry):
                idx16 = idx_v[pl.ds(g * _L, _L)]
                pos_v[pl.ds(g * _L, _L)] = (
                    pos_v[pl.ds(g * _L, _L)] +
                    plsc.load_gather(offs_v, [idx16]))
                return carry

            lax.fori_loop(0, ngrp, obody, 0)
            pltpu.sync_copy(pos_v, loc_hbm.at[pl.ds(base, tpw)])

    return sc_loc


def kernel(input, W):
    tokens, model_dim = input.shape
    num_experts = W.shape[0]
    bt = min(512, tokens)
    capacity = int(math.ceil(tokens / num_experts))

    idx3, gate3 = _tc_gate(input, W, bt)
    idx = idx3.reshape(tokens)

    sc_loc = _make_sc_1core(tokens, num_experts)
    loc = sc_loc(idx)

    return (idx, jnp.int32(capacity), loc, gate3.reshape(tokens),
            jnp.int32(num_experts))

# --- scband reference (transcript-rebuilt; emitter-appended) ---
"""Pipeline reference for scband-top1-gate-44212393345663 (READ-ONLY COPY).

The authoritative reference and input builder live on the scoring server;
editing this copy changes nothing except your own understanding.
"""

import jax, jax.numpy as jnp
import numpy as np
import math

TOKENS = 32768
MODEL_DIM = 4096
NUM_EXPERTS = 64
CAPACITY_FACTOR = 1.0


def setup_inputs(seed: int = 0) -> dict:
    key = jax.random.key(seed)
    k1, k2 = jax.random.split(key)
    x = jax.random.normal(k1, (TOKENS, MODEL_DIM), dtype=jnp.float32)
    # gate linear weight, torch Linear stores [out_features, in_features]
    W = jax.random.normal(k2, (NUM_EXPERTS, MODEL_DIM), dtype=jnp.float32) * 0.02
    return {"input": x, "W": W}


def reference(input, W):
    # wg(input): Linear without bias
    logits = (input @ W.T).astype(jnp.float32)
    num_tokens, num_experts = logits.shape
    # module defaults to training=True => eval_mode=False branch
    capacity = int(CAPACITY_FACTOR * math.ceil(num_tokens / num_experts))
    indices1_s = jnp.argmax(logits, axis=1)
    gates = jax.nn.softmax(logits, axis=1)
    mask1 = jax.nn.one_hot(indices1_s, num_experts, dtype=jnp.int32)
    gates1_s = jnp.sum(gates * mask1.astype(gates.dtype), axis=1)
    locations1 = jnp.cumsum(mask1, axis=0) - 1
    locations1_s = jnp.sum(locations1 * mask1, axis=1)
    return (indices1_s.astype(jnp.int32), jnp.int32(capacity), locations1_s.astype(jnp.int32), gates1_s, jnp.int32(num_experts))

if __name__ == "__main__":
    import jax
    _d = setup_inputs()
    print(jax.jit(kernel)(*tuple(_d.values())))

</pallas_src>

<mosaic_0001>
#map = affine_map<(d0, d1) -> (0)>
module attributes {stable_mosaic.version = 14 : i64} {
  func.func @sc_loc(%arg0: i32, %arg1: i32, %arg2: memref<32768xi32, #tpu.memory_space<hbm>>, %arg3: memref<32768xi32, #tpu.memory_space<hbm>>, %arg4: memref<2048xi32, #tpu.memory_space<vmem>>, %arg5: memref<2048xi32, #tpu.memory_space<vmem>>, %arg6: memref<64xi32, #tpu.memory_space<vmem>>, %arg7: memref<1024xi32, #tpu.memory_space<vmem>>, %arg8: memref<64xi32, #tpu.memory_space<vmem>>, %arg9: memref<1024xi32, #tpu.memory_space<vmem_shared>>) attributes {dimension_semantics = [#tpu.dimension_semantics<core_parallel>, #tpu.dimension_semantics<subcore_parallel>], iteration_bounds = array<i64: 2, 16>, scalar_prefetch = 0 : i64, scratch_operands = 6 : i64, tpu.core_type = #tpu.core_type<sc_vector_subcore>, window_params = [{transform_indices = #map}, {transform_indices = #map}]} {
    %eq3A = arith.constant 0 : i32
    %eq3A_0 = arith.cmpi eq, %arg0, %eq3A : i32
    %convert_element_type3A = arith.extui %eq3A_0 : i1 to i32
    %cond3A = arith.constant 0 : i32
    %cond3A_1 = arith.cmpi ne, %convert_element_type3A, %cond3A : i32
    scf.if %cond3A_1 {
      %mul3A = arith.constant 2048 : i32
      %mul3A_2 = arith.muli %arg1, %mul3A : i32
      "tpu.region"() ({
        %run_scoped3A = tpu.sem_alloc : memref<!tpu.dma_semaphore, #tpu.memory_space<semaphore_mem>>
        %dma_start3A = tpu.memref_slice %arg2[%mul3A_2] : memref<32768xi32, #tpu.memory_space<hbm>> -> memref<2048xi32, #tpu.memory_space<hbm>>
        %dma_start3A_675 = tpu.memref_slice %arg2[%mul3A_2] : memref<32768xi32, #tpu.memory_space<hbm>> -> memref<2048xi32, #tpu.memory_space<hbm>>
        tpu.enqueue_dma source(%dma_start3A_675 : memref<2048xi32, #tpu.memory_space<hbm>>) target(%arg4 : memref<2048xi32, #tpu.memory_space<vmem>>) target_semaphore(%run_scoped3A : memref<!tpu.dma_semaphore, #tpu.memory_space<semaphore_mem>>)
        %dma_wait3A = tpu.memref_slice %arg2[%mul3A_2] : memref<32768xi32, #tpu.memory_space<hbm>> -> memref<2048xi32, #tpu.memory_space<hbm>>
        %dma_wait3A_676 = tpu.memref_slice %arg2[%mul3A_2] : memref<32768xi32, #tpu.memory_space<hbm>> -> memref<2048xi32, #tpu.memory_space<hbm>>
        tpu.wait_dma2 semaphore(%run_scoped3A : memref<!tpu.dma_semaphore, #tpu.memory_space<semaphore_mem>>) src(%dma_wait3A_676 : memref<2048xi32, #tpu.memory_space<hbm>>) dst(%arg4 : memref<2048xi32, #tpu.memory_space<vmem>>)
        tpu.yield
      }) : () -> ()
      %broadcast_in_dim3A = arith.constant 0 : i32
      %broadcast_in_dim3A_3 = vector.broadcast %broadcast_in_dim3A : i32 to vector<16xi32>
      %swap3A = arith.constant 0 : index
      %swap3A_4 = tpu.vector_load %arg6[%swap3A] {strides = array<i32>} : memref<64xi32, #tpu.memory_space<vmem>>, vector<16xi32>,
      tpu.vector_store %arg6[%swap3A], %broadcast_in_dim3A_3 {strides = array<i32>} : memref<64xi32, #tpu.memory_space<vmem>>, vector<16xi32>,
      %swap3A_5 = arith.constant 16 : index
      %swap3A_6 = tpu.vector_load %arg6[%swap3A_5] {strides = array<i32>} : memref<64xi32, #tpu.memory_space<vmem>>, vector<16xi32>,
      tpu.vector_store %arg6[%swap3A_5], %broadcast_in_dim3A_3 {strides = array<i32>} : memref<64xi32, #tpu.memory_space<vmem>>, vector<16xi32>,
      %swap3A_7 = arith.constant 32 : index
      %swap3A_8 = tpu.vector_load %arg6[%swap3A_7] {strides = array<i32>} : memref<64xi32, #tpu.memory_space<vmem>>, vector<16xi32>,
      tpu.vector_store %arg6[%swap3A_7], %broadcast_in_dim3A_3 {strides = array<i32>} : memref<64xi32, #tpu.memory_space<vmem>>, vector<16xi32>,
      %swap3A_9 = arith.constant 48 : index
      %swap3A_10 = tpu.vector_load %arg6[%swap3A_9] {strides = array<i32>} : memref<64xi32, #tpu.memory_space<vmem>>, vector<16xi32>,
      tpu.vector_store %arg6[%swap3A_9], %broadcast_in_dim3A_3 {strides = array<i32>} : memref<64xi32, #tpu.memory_space<vmem>>, vector<16xi32>,
      %iota3A = tpu.iota {dimensions = array<i32: 0>} : vector<16xi32>
      %scan3A = arith.constant 0 : i32
      %scan3A_11 = arith.constant 0 : i32
      %scan3A_12 = arith.constant 128 : i32
      %scan3A_13 = arith.addi %scan3A_11, %scan3A_12 : i32
      %scan3A_14 = arith.constant 1 : i32
      scf.for %scan3A_675 = %scan3A_11 to %scan3A_13 step %scan3A_14  : i32 {
        %mul3A_676 = arith.constant 16 : i32
        %mul3A_677 = arith.muli %scan3A_675, %mul3A_676 : i32
        %get3A_678 = arith.index_cast %mul3A_677 : i32 to index
        %get3A_679 = tpu.vector_load %arg4[%get3A_678] {strides = array<i32>} : memref<2048xi32, #tpu.memory_space<vmem>>, vector<16xi32>,
        %broadcast_in_dim3A_680 = arith.constant 0 : i32
        %broadcast_in_dim3A_681 = vector.broadcast %broadcast_in_dim3A_680 : i32 to vector<16xi32>
        %broadcast_in_dim3A_682 = arith.constant 0 : i32
        %broadcast_in_dim3A_683 = vector.broadcast %broadcast_in_dim3A_682 : i32 to vector<16xi32>
        %sub3A = arith.constant 1 : i32
        %sub3A_684 = vector.broadcast %sub3A : i32 to vector<16xi32>
        %sub3A_685 = arith.subi %iota3A, %sub3A_684 : vector<16xi32>
        %max3A = arith.constant 0 : i32
        %max3A_686 = vector.broadcast %max3A : i32 to vector<16xi32>
        %max3A_687 = arith.maxsi %sub3A_685, %max3A_686 : vector<16xi32>
        %lt3A = arith.constant 0 : i32
        %lt3A_688 = vector.broadcast %lt3A : i32 to vector<16xi32>
        %lt3A_689 = arith.cmpi slt, %max3A_687, %lt3A_688 : vector<16xi32>
        %add3A_690 = arith.constant 16 : i32
        %add3A_691 = vector.broadcast %add3A_690 : i32 to vector<16xi32>
        %add3A_692 = arith.addi %max3A_687, %add3A_691 : vector<16xi32>
        %select_n3A_693 = arith.select %lt3A_689, %add3A_692, %max3A_687 : vector<16xi1>, vector<16xi32>
        %broadcast_in_dim3A_694 = vector.shape_cast %select_n3A_693 : vector<16xi32> to vector<16x1xi32>
        %gather3A = vector.shape_cast %broadcast_in_dim3A_694 : vector<16x1xi32> to vector<16xi32>
        %gather3A_695 = tpu.dynamic_gather %get3A_679[%gather3A] in [0] : vector<16xi32>, vector<16xi32> -> vector<16xi32>
        %ge3A = arith.constant 1 : i32
        %ge3A_696 = vector.broadcast %ge3A : i32 to vector<16xi32>
        %ge3A_697 = arith.cmpi sge, %iota3A, %ge3A_696 : vector<16xi32>
        %jit3A_698 = arith.constant 1 : i32
        %jit3A_699 = arith.constant 0 : i32
        %broadcast_in_dim3A_700 = vector.broadcast %jit3A_698 : i32 to vector<16xi32>
        %broadcast_in_dim3A_701 = vector.broadcast %jit3A_699 : i32 to vector<16xi32>
        %select_n3A_702 = arith.select %ge3A_697, %broadcast_in_dim3A_700, %broadcast_in_dim3A_701 : vector<16xi1>, vector<16xi32>
        %eq3A_703 = arith.cmpi eq, %gather3A_695, %get3A_679 : vector<16xi32>
        %jit3A_704 = arith.constant 1 : i32
        %jit3A_705 = arith.constant 0 : i32
        %broadcast_in_dim3A_706 = vector.broadcast %jit3A_704 : i32 to vector<16xi32>
        %broadcast_in_dim3A_707 = vector.broadcast %jit3A_705 : i32 to vector<16xi32>
        %select_n3A_708 = arith.select %eq3A_703, %broadcast_in_dim3A_706, %broadcast_in_dim3A_707 : vector<16xi1>, vector<16xi32>
        %mul3A_709 = arith.muli %select_n3A_702, %select_n3A_708 : vector<16xi32>
        %add3A_710 = arith.addi %broadcast_in_dim3A_681, %mul3A_709 : vector<16xi32>
        %add3A_711 = arith.constant 1 : i32
        %add3A_712 = vector.broadcast %add3A_711 : i32 to vector<16xi32>
        %add3A_713 = arith.addi %iota3A, %add3A_712 : vector<16xi32>
        %min3A = arith.constant 15 : i32
        %min3A_714 = vector.broadcast %min3A : i32 to vector<16xi32>
        %min3A_715 = arith.minsi %add3A_713, %min3A_714 : vector<16xi32>
        %lt3A_716 = arith.constant 0 : i32
        %lt3A_717 = vector.broadcast %lt3A_716 : i32 to vector<16xi32>
        %lt3A_718 = arith.cmpi slt, %min3A_715, %lt3A_717 : vector<16xi32>
        %add3A_719 = arith.constant 16 : i32
        %add3A_720 = vector.broadcast %add3A_719 : i32 to vector<16xi32>
        %add3A_721 = arith.addi %min3A_715, %add3A_720 : vector<16xi32>
        %select_n3A_722 = arith.select %lt3A_718, %add3A_721, %min3A_715 : vector<16xi1>, vector<16xi32>
        %broadcast_in_dim3A_723 = vector.shape_cast %select_n3A_722 : vector<16xi32> to vector<16x1xi32>
        %gather3A_724 = vector.shape_cast %broadcast_in_dim3A_723 : vector<16x1xi32> to vector<16xi32>
        %gather3A_725 = tpu.dynamic_gather %get3A_679[%gather3A_724] in [0] : vector<16xi32>, vector<16xi32> -> vector<16xi32>
        %lt3A_726 = arith.constant 15 : i32
        %lt3A_727 = vector.broadcast %lt3A_726 : i32 to vector<16xi32>
        %lt3A_728 = arith.cmpi slt, %iota3A, %lt3A_727 : vector<16xi32>
        %jit3A_729 = arith.constant 1 : i32
        %jit3A_730 = arith.constant 0 : i32
        %broadcast_in_dim3A_731 = vector.broadcast %jit3A_729 : i32 to vector<16xi32>
        %broadcast_in_dim3A_732 = vector.broadcast %jit3A_730 : i32 to vector<16xi32>
        %select_n3A_733 = arith.select %lt3A_728, %broadcast_in_dim3A_731, %broadcast_in_dim3A_732 : vector<16xi1>, vector<16xi32>
        %eq3A_734 = arith.cmpi eq, %gather3A_725, %get3A_679 : vector<16xi32>
        %jit3A_735 = arith.constant 1 : i32
        %jit3A_736 = arith.constant 0 : i32
        %broadcast_in_dim3A_737 = vector.broadcast %jit3A_735 : i32 to vector<16xi32>
        %broadcast_in_dim3A_738 = vector.broadcast %jit3A_736 : i32 to vector<16xi32>
        %select_n3A_739 = arith.select %eq3A_734, %broadcast_in_dim3A_737, %broadcast_in_dim3A_738 : vector<16xi1>, vector<16xi32>
        %mul3A_740 = arith.muli %select_n3A_733, %select_n3A_739 : vector<16xi32>
        %add3A_741 = arith.addi %broadcast_in_dim3A_683, %mul3A_740 : vector<16xi32>
        %sub3A_742 = arith.constant 2 : i32
        %sub3A_743 = vector.broadcast %sub3A_742 : i32 to vector<16xi32>
        %sub3A_744 = arith.subi %iota3A, %sub3A_743 : vector<16xi32>
        %max3A_745 = arith.constant 0 : i32
        %max3A_746 = vector.broadcast %max3A_745 : i32 to vector<16xi32>
        %max3A_747 = arith.maxsi %sub3A_744, %max3A_746 : vector<16xi32>
        %lt3A_748 = arith.constant 0 : i32
        %lt3A_749 = vector.broadcast %lt3A_748 : i32 to vector<16xi32>
        %lt3A_750 = arith.cmpi slt, %max3A_747, %lt3A_749 : vector<16xi32>
        %add3A_751 = arith.constant 16 : i32
        %add3A_752 = vector.broadcast %add3A_751 : i32 to vector<16xi32>
        %add3A_753 = arith.addi %max3A_747, %add3A_752 : vector<16xi32>
        %select_n3A_754 = arith.select %lt3A_750, %add3A_753, %max3A_747 : vector<16xi1>, vector<16xi32>
        %broadcast_in_dim3A_755 = vector.shape_cast %select_n3A_754 : vector<16xi32> to vector<16x1xi32>
        %gather3A_756 = vector.shape_cast %broadcast_in_dim3A_755 : vector<16x1xi32> to vector<16xi32>
        %gather3A_757 = tpu.dynamic_gather %get3A_679[%gather3A_756] in [0] : vector<16xi32>, vector<16xi32> -> vector<16xi32>
        %ge3A_758 = arith.constant 2 : i32
        %ge3A_759 = vector.broadcast %ge3A_758 : i32 to vector<16xi32>
        %ge3A_760 = arith.cmpi sge, %iota3A, %ge3A_759 : vector<16xi32>
        %jit3A_761 = arith.constant 1 : i32
        %jit3A_762 = arith.constant 0 : i32
        %broadcast_in_dim3A_763 = vector.broadcast %jit3A_761 : i32 to vector<16xi32>
        %broadcast_in_dim3A_764 = vector.broadcast %jit3A_762 : i32 to vector<16xi32>
        %select_n3A_765 = arith.select %ge3A_760, %broadcast_in_dim3A_763, %broadcast_in_dim3A_764 : vector<16xi1>, vector<16xi32>
        %eq3A_766 = arith.cmpi eq, %gather3A_757, %get3A_679 : vector<16xi32>
        %jit3A_767 = arith.constant 1 : i32
        %jit3A_768 = arith.constant 0 : i32
        %broadcast_in_dim3A_769 = vector.broadcast %jit3A_767 : i32 to vector<16xi32>
        %broadcast_in_dim3A_770 = vector.broadcast %jit3A_768 : i32 to vector<16xi32>
        %select_n3A_771 = arith.select %eq3A_766, %broadcast_in_dim3A_769, %broadcast_in_dim3A_770 : vector<16xi1>, vector<16xi32>
        %mul3A_772 = arith.muli %select_n3A_765, %select_n3A_771 : vector<16xi32>
        %add3A_773 = arith.addi %add3A_710, %mul3A_772 : vector<16xi32>
        %add3A_774 = arith.constant 2 : i32
        %add3A_775 = vector.broadcast %add3A_774 : i32 to vector<16xi32>
        %add3A_776 = arith.addi %iota3A, %add3A_775 : vector<16xi32>
        %min3A_777 = arith.constant 15 : i32
        %min3A_778 = vector.broadcast %min3A_777 : i32 to vector<16xi32>
        %min3A_779 = arith.minsi %add3A_776, %min3A_778 : vector<16xi32>
        %lt3A_780 = arith.constant 0 : i32
        %lt3A_781 = vector.broadcast %lt3A_780 : i32 to vector<16xi32>
        %lt3A_782 = arith.cmpi slt, %min3A_779, %lt3A_781 : vector<16xi32>
        %add3A_783 = arith.constant 16 : i32
        %add3A_784 = vector.broadcast %add3A_783 : i32 to vector<16xi32>
        %add3A_785 = arith.addi %min3A_779, %add3A_784 : vector<16xi32>
        %select_n3A_786 = arith.select %lt3A_782, %add3A_785, %min3A_779 : vector<16xi1>, vector<16xi32>
        %broadcast_in_dim3A_787 = vector.shape_cast %select_n3A_786 : vector<16xi32> to vector<16x1xi32>
        %gather3A_788 = vector.shape_cast %broadcast_in_dim3A_787 : vector<16x1xi32> to vector<16xi32>
        %gather3A_789 = tpu.dynamic_gather %get3A_679[%gather3A_788] in [0] : vector<16xi32>, vector<16xi32> -> vector<16xi32>
        %lt3A_790 = arith.constant 14 : i32
        %lt3A_791 = vector.broadcast %lt3A_790 : i32 to vector<16xi32>
        %lt3A_792 = arith.cmpi slt, %iota3A, %lt3A_791 : vector<16xi32>
        %jit3A_793 = arith.constant 1 : i32
        %jit3A_794 = arith.constant 0 : i32
        %broadcast_in_dim3A_795 = vector.broadcast %jit3A_793 : i32 to vector<16xi32>
        %broadcast_in_dim3A_796 = vector.broadcast %jit3A_794 : i32 to vector<16xi32>
        %select_n3A_797 = arith.select %lt3A_792, %broadcast_in_dim3A_795, %broadcast_in_dim3A_796 : vector<16xi1>, vector<16xi32>
        %eq3A_798 = arith.cmpi eq, %gather3A_789, %get3A_679 : vector<16xi32>
        %jit3A_799 = arith.constant 1 : i32
        %jit3A_800 = arith.constant 0 : i32
        %broadcast_in_dim3A_801 = vector.broadcast %jit3A_799 : i32 to vector<16xi32>
        %broadcast_in_dim3A_802 = vector.broadcast %jit3A_800 : i32 to vector<16xi32>
        %select_n3A_803 = arith.select %eq3A_798, %broadcast_in_dim3A_801, %broadcast_in_dim3A_802 : vector<16xi1>, vector<16xi32>
        %mul3A_804 = arith.muli %select_n3A_797, %select_n3A_803 : vector<16xi32>
        %add3A_805 = arith.addi %add3A_741, %mul3A_804 : vector<16xi32>
        %sub3A_806 = arith.constant 3 : i32
        %sub3A_807 = vector.broadcast %sub3A_806 : i32 to vector<16xi32>
        %sub3A_808 = arith.subi %iota3A, %sub3A_807 : vector<16xi32>
        %max3A_809 = arith.constant 0 : i32
        %max3A_810 = vector.broadcast %max3A_809 : i32 to vector<16xi32>
        %max3A_811 = arith.maxsi %sub3A_808, %max3A_810 : vector<16xi32>
        %lt3A_812 = arith.constant 0 : i32
        %lt3A_813 = vector.broadcast %lt3A_812 : i32 to vector<16xi32>
        %lt3A_814 = arith.cmpi slt, %max3A_811, %lt3A_813 : vector<16xi32>
        %add3A_815 = arith.constant 16 : i32
        %add3A_816 = vector.broadcast %add3A_815 : i32 to vector<16xi32>
        %add3A_817 = arith.addi %max3A_811, %add3A_816 : vector<16xi32>
        %select_n3A_818 = arith.select %lt3A_814, %add3A_817, %max3A_811 : vector<16xi1>, vector<16xi32>
        %broadcast_in_dim3A_819 = vector.shape_cast %select_n3A_818 : vector<16xi32> to vector<16x1xi32>
        %gather3A_820 = vector.shape_cast %broadcast_in_dim3A_819 : vector<16x1xi32> to vector<16xi32>
        %gather3A_821 = tpu.dynamic_gather %get3A_679[%gather3A_820] in [0] : vector<16xi32>, vector<16xi32> -> vector<16xi32>
        %ge3A_822 = arith.constant 3 : i32
        %ge3A_823 = vector.broadcast %ge3A_822 : i32 to vector<16xi32>
        %ge3A_824 = arith.cmpi sge, %iota3A, %ge3A_823 : vector<16xi32>
        %jit3A_825 = arith.constant 1 : i32
        %jit3A_826 = arith.constant 0 : i32
        %broadcast_in_dim3A_827 = vector.broadcast %jit3A_825 : i32 to vector<16xi32>
        %broadcast_in_dim3A_828 = vector.broadcast %jit3A_826 : i32 to vector<16xi32>
        %select_n3A_829 = arith.select %ge3A_824, %broadcast_in_dim3A_827, %broadcast_in_dim3A_828 : vector<16xi1>, vector<16xi32>
        %eq3A_830 = arith.cmpi eq, %gather3A_821, %get3A_679 : vector<16xi32>
        %jit3A_831 = arith.constant 1 : i32
        %jit3A_832 = arith.constant 0 : i32
        %broadcast_in_dim3A_833 = vector.broadcast %jit3A_831 : i32 to vector<16xi32>
        %broadcast_in_dim3A_834 = vector.broadcast %jit3A_832 : i32 to vector<16xi32>
        %select_n3A_835 = arith.select %eq3A_830, %broadcast_in_dim3A_833, %broadcast_in_dim3A_834 : vector<16xi1>, vector<16xi32>
        %mul3A_836 = arith.muli %select_n3A_829, %select_n3A_835 : vector<16xi32>
        %add3A_837 = arith.addi %add3A_773, %mul3A_836 : vector<16xi32>
        %add3A_838 = arith.constant 3 : i32
        %add3A_839 = vector.broadcast %add3A_838 : i32 to vector<16xi32>
        %add3A_840 = arith.addi %iota3A, %add3A_839 : vector<16xi32>
        %min3A_841 = arith.constant 15 : i32
        %min3A_842 = vector.broadcast %min3A_841 : i32 to vector<16xi32>
        %min3A_843 = arith.minsi %add3A_840, %min3A_842 : vector<16xi32>
        %lt3A_844 = arith.constant 0 : i32
        %lt3A_845 = vector.broadcast %lt3A_844 : i32 to vector<16xi32>
        %lt3A_846 = arith.cmpi slt, %min3A_843, %lt3A_845 : vector<16xi32>
        %add3A_847 = arith.constant 16 : i32
        %add3A_848 = vector.broadcast %add3A_847 : i32 to vector<16xi32>
        %add3A_849 = arith.addi %min3A_843, %add3A_848 : vector<16xi32>
        %select_n3A_850 = arith.select %lt3A_846, %add3A_849, %min3A_843 : vector<16xi1>, vector<16xi32>
        %broadcast_in_dim3A_851 = vector.shape_cast %select_n3A_850 : vector<16xi32> to vector<16x1xi32>
        %gather3A_852 = vector.shape_cast %broadcast_in_dim3A_851 : vector<16x1xi32> to vector<16xi32>
        %gather3A_853 = tpu.dynamic_gather %get3A_679[%gather3A_852] in [0] : vector<16xi32>, vector<16xi32> -> vector<16xi32>
        %lt3A_854 = arith.constant 13 : i32
        %lt3A_855 = vector.broadcast %lt3A_854 : i32 to vector<16xi32>
        %lt3A_856 = arith.cmpi slt, %iota3A, %lt3A_855 : vector<16xi32>
        %jit3A_857 = arith.constant 1 : i32
        %jit3A_858 = arith.constant 0 : i32
        %broadcast_in_dim3A_859 = vector.broadcast %jit3A_857 : i32 to vector<16xi32>
        %broadcast_in_dim3A_860 = vector.broadcast %jit3A_858 : i32 to vector<16xi32>
        %select_n3A_861 = arith.select %lt3A_856, %broadcast_in_dim3A_859, %broadcast_in_dim3A_860 : vector<16xi1>, vector<16xi32>
        %eq3A_862 = arith.cmpi eq, %gather3A_853, %get3A_679 : vector<16xi32>
        %jit3A_863 = arith.constant 1 : i32
        %jit3A_864 = arith.constant 0 : i32
        %broadcast_in_dim3A_865 = vector.broadcast %jit3A_863 : i32 to vector<16xi32>
        %broadcast_in_dim3A_866 = vector.broadcast %jit3A_864 : i32 to vector<16xi32>
        %select_n3A_867 = arith.select %eq3A_862, %broadcast_in_dim3A_865, %broadcast_in_dim3A_866 : vector<16xi1>, vector<16xi32>
        %mul3A_868 = arith.muli %select_n3A_861, %select_n3A_867 : vector<16xi32>
        %add3A_869 = arith.addi %add3A_805, %mul3A_868 : vector<16xi32>
        %sub3A_870 = arith.constant 4 : i32
        %sub3A_871 = vector.broadcast %sub3A_870 : i32 to vector<16xi32>
        %sub3A_872 = arith.subi %iota3A, %sub3A_871 : vector<16xi32>
        %max3A_873 = arith.constant 0 : i32
        %max3A_874 = vector.broadcast %max3A_873 : i32 to vector<16xi32>
        %max3A_875 = arith.maxsi %sub3A_872, %max3A_874 : vector<16xi32>
        %lt3A_876 = arith.constant 0 : i32
        %lt3A_877 = vector.broadcast %lt3A_876 : i32 to vector<16xi32>
        %lt3A_878 = arith.cmpi slt, %max3A_875, %lt3A_877 : vector<16xi32>
        %add3A_879 = arith.constant 16 : i32
        %add3A_880 = vector.broadcast %add3A_879 : i32 to vector<16xi32>
        %add3A_881 = arith.addi %max3A_875, %add3A_880 : vector<16xi32>
        %select_n3A_882 = arith.select %lt3A_878, %add3A_881, %max3A_875 : vector<16xi1>, vector<16xi32>
        %broadcast_in_dim3A_883 = vector.shape_cast %select_n3A_882 : vector<16xi32> to vector<16x1xi32>
        %gather3A_884 = vector.shape_cast %broadcast_in_dim3A_883 : vector<16x1xi32> to vector<16xi32>
        %gather3A_885 = tpu.dynamic_gather %get3A_679[%gather3A_884] in [0] : vector<16xi32>, vector<16xi32> -> vector<16xi32>
        %ge3A_886 = arith.constant 4 : i32
        %ge3A_887 = vector.broadcast %ge3A_886 : i32 to vector<16xi32>
        %ge3A_888 = arith.cmpi sge, %iota3A, %ge3A_887 : vector<16xi32>
        %jit3A_889 = arith.constant 1 : i32
        %jit3A_890 = arith.constant 0 : i32
        %broadcast_in_dim3A_891 = vector.broadcast %jit3A_889 : i32 to vector<16xi32>
        %broadcast_in_dim3A_892 = vector.broadcast %jit3A_890 : i32 to vector<16xi32>
        %select_n3A_893 = arith.select %ge3A_888, %broadcast_in_dim3A_891, %broadcast_in_dim3A_892 : vector<16xi1>, vector<16xi32>
        %eq3A_894 = arith.cmpi eq, %gather3A_885, %get3A_679 : vector<16xi32>
        %jit3A_895 = arith.constant 1 : i32
        %jit3A_896 = arith.constant 0 : i32
        %broadcast_in_dim3A_897 = vector.broadcast %jit3A_895 : i32 to vector<16xi32>
        %broadcast_in_dim3A_898 = vector.broadcast %jit3A_896 : i32 to vector<16xi32>
        %select_n3A_899 = arith.select %eq3A_894, %broadcast_in_dim3A_897, %broadcast_in_dim3A_898 : vector<16xi1>, vector<16xi32>
        %mul3A_900 = arith.muli %select_n3A_893, %select_n3A_899 : vector<16xi32>
        %add3A_901 = arith.addi %add3A_837, %mul3A_900 : vector<16xi32>
        %add3A_902 = arith.constant 4 : i32
        %add3A_903 = vector.broadcast %add3A_902 : i32 to vector<16xi32>
        %add3A_904 = arith.addi %iota3A, %add3A_903 : vector<16xi32>
        %min3A_905 = arith.constant 15 : i32
        %min3A_906 = vector.broadcast %min3A_905 : i32 to vector<16xi32>
        %min3A_907 = arith.minsi %add3A_904, %min3A_906 : vector<16xi32>
        %lt3A_908 = arith.constant 0 : i32
        %lt3A_909 = vector.broadcast %lt3A_908 : i32 to vector<16xi32>
        %lt3A_910 = arith.cmpi slt, %min3A_907, %lt3A_909 : vector<16xi32>
        %add3A_911 = arith.constant 16 : i32
        %add3A_912 = vector.broadcast %add3A_911 : i32 to vector<16xi32>
        %add3A_913 = arith.addi %min3A_907, %add3A_912 : vector<16xi32>
        %select_n3A_914 = arith.select %lt3A_910, %add3A_913, %min3A_907 : vector<16xi1>, vector<16xi32>
        %broadcast_in_dim3A_915 = vector.shape_cast %select_n3A_914 : vector<16xi32> to vector<16x1xi32>
        %gather3A_916 = vector.shape_cast %broadcast_in_dim3A_915 : vector<16x1xi32> to vector<16xi32>
        %gather3A_917 = tpu.dynamic_gather %get3A_679[%gather3A_916] in [0] : vector<16xi32>, vector<16xi32> -> vector<16xi32>
        %lt3A_918 = arith.constant 12 : i32
        %lt3A_919 = vector.broadcast %lt3A_918 : i32 to vector<16xi32>
        %lt3A_920 = arith.cmpi slt, %iota3A, %lt3A_919 : vector<16xi32>
        %jit3A_921 = arith.constant 1 : i32
        %jit3A_922 = arith.constant 0 : i32
        %broadcast_in_dim3A_923 = vector.broadcast %jit3A_921 : i32 to vector<16xi32>
        %broadcast_in_dim3A_924 = vector.broadcast %jit3A_922 : i32 to vector<16xi32>
        %select_n3A_925 = arith.select %lt3A_920, %broadcast_in_dim3A_923, %broadcast_in_dim3A_924 : vector<16xi1>, vector<16xi32>
        %eq3A_926 = arith.cmpi eq, %gather3A_917, %get3A_679 : vector<16xi32>
        %jit3A_927 = arith.constant 1 : i32
        %jit3A_928 = arith.constant 0 : i32
        %broadcast_in_dim3A_929 = vector.broadcast %jit3A_927 : i32 to vector<16xi32>
        %broadcast_in_dim3A_930 = vector.broadcast %jit3A_928 : i32 to vector<16xi32>
        %select_n3A_931 = arith.select %eq3A_926, %broadcast_in_dim3A_929, %broadcast_in_dim3A_930 : vector<16xi1>, vector<16xi32>
        %mul3A_932 = arith.muli %select_n3A_925, %select_n3A_931 : vector<16xi32>
        %add3A_933 = arith.addi %add3A_869, %mul3A_932 : vector<16xi32>
        %sub3A_934 = arith.constant 5 : i32
        %sub3A_935 = vector.broadcast %sub3A_934 : i32 to vector<16xi32>
        %sub3A_936 = arith.subi %iota3A, %sub3A_935 : vector<16xi32>
        %max3A_937 = arith.constant 0 : i32
        %max3A_938 = vector.broadcast %max3A_937 : i32 to vector<16xi32>
        %max3A_939 = arith.maxsi %sub3A_936, %max3A_938 : vector<16xi32>
        %lt3A_940 = arith.constant 0 : i32
        %lt3A_941 = vector.broadcast %lt3A_940 : i32 to vector<16xi32>
        %lt3A_942 = arith.cmpi slt, %max3A_939, %lt3A_941 : vector<16xi32>
        %add3A_943 = arith.constant 16 : i32
        %add3A_944 = vector.broadcast %add3A_943 : i32 to vector<16xi32>
        %add3A_945 = arith.addi %max3A_939, %add3A_944 : vector<16xi32>
        %select_n3A_946 = arith.select %lt3A_942, %add3A_945, %max3A_939 : vector<16xi1>, vector<16xi32>
        %broadcast_in_dim3A_947 = vector.shape_cast %select_n3A_946 : vector<16xi32> to vector<16x1xi32>
        %gather3A_948 = vector.shape_cast %broadcast_in_dim3A_947 : vector<16x1xi32> to vector<16xi32>
        %gather3A_949 = tpu.dynamic_gather %get3A_679[%gather3A_948] in [0] : vector<16xi32>, vector<16xi32> -> vector<16xi32>
        %ge3A_950 = arith.constant 5 : i32
        %ge3A_951 = vector.broadcast %ge3A_950 : i32 to vector<16xi32>
        %ge3A_952 = arith.cmpi sge, %iota3A, %ge3A_951 : vector<16xi32>
        %jit3A_953 = arith.constant 1 : i32
        %jit3A_954 = arith.constant 0 : i32
        %broadcast_in_dim3A_955 = vector.broadcast %jit3A_953 : i32 to vector<16xi32>
        %broadcast_in_dim3A_956 = vector.broadcast %jit3A_954 : i32 to vector<16xi32>
        %select_n3A_957 = arith.select %ge3A_952, %broadcast_in_dim3A_955, %broadcast_in_dim3A_956 : vector<16xi1>, vector<16xi32>
        %eq3A_958 = arith.cmpi eq, %gather3A_949, %get3A_679 : vector<16xi32>
        %jit3A_959 = arith.constant 1 : i32
        %jit3A_960 = arith.constant 0 : i32
        %broadcast_in_dim3A_961 = vector.broadcast %jit3A_959 : i32 to vector<16xi32>
        %broadcast_in_dim3A_962 = vector.broadcast %jit3A_960 : i32 to vector<16xi32>
        %select_n3A_963 = arith.select %eq3A_958, %broadcast_in_dim3A_961, %broadcast_in_dim3A_962 : vector<16xi1>, vector<16xi32>
        %mul3A_964 = arith.muli %select_n3A_957, %select_n3A_963 : vector<16xi32>
        %add3A_965 = arith.addi %add3A_901, %mul3A_964 : vector<16xi32>
        %add3A_966 = arith.constant 5 : i32
        %add3A_967 = vector.broadcast %add3A_966 : i32 to vector<16xi32>
        %add3A_968 = arith.addi %iota3A, %add3A_967 : vector<16xi32>
        %min3A_969 = arith.constant 15 : i32
        %min3A_970 = vector.broadcast %min3A_969 : i32 to vector<16xi32>
        %min3A_971 = arith.minsi %add3A_968, %min3A_970 : vector<16xi32>
        %lt3A_972 = arith.constant 0 : i32
        %lt3A_973 = vector.broadcast %lt3A_972 : i32 to vector<16xi32>
        %lt3A_974 = arith.cmpi slt, %min3A_971, %lt3A_973 : vector<16xi32>
        %add3A_975 = arith.constant 16 : i32
        %add3A_976 = vector.broadcast %add3A_975 : i32 to vector<16xi32>
        %add3A_977 = arith.addi %min3A_971, %add3A_976 : vector<16xi32>
        %select_n3A_978 = arith.select %lt3A_974, %add3A_977, %min3A_971 : vector<16xi1>, vector<16xi32>
        %broadcast_in_dim3A_979 = vector.shape_cast %select_n3A_978 : vector<16xi32> to vector<16x1xi32>
        %gather3A_980 = vector.shape_cast %broadcast_in_dim3A_979 : vector<16x1xi32> to vector<16xi32>
        %gather3A_981 = tpu.dynamic_gather %get3A_679[%gather3A_980] in [0] : vector<16xi32>, vector<16xi32> -> vector<16xi32>
        %lt3A_982 = arith.constant 11 : i32
        %lt3A_983 = vector.broadcast %lt3A_982 : i32 to vector<16xi32>
        %lt3A_984 = arith.cmpi slt, %iota3A, %lt3A_983 : vector<16xi32>
        %jit3A_985 = arith.constant 1 : i32
        %jit3A_986 = arith.constant 0 : i32
        %broadcast_in_dim3A_987 = vector.broadcast %jit3A_985 : i32 to vector<16xi32>
        %broadcast_in_dim3A_988 = vector.broadcast %jit3A_986 : i32 to vector<16xi32>
        %select_n3A_989 = arith.select %lt3A_984, %broadcast_in_dim3A_987, %broadcast_in_dim3A_988 : vector<16xi1>, vector<16xi32>
        %eq3A_990 = arith.cmpi eq, %gather3A_981, %get3A_679 : vector<16xi32>
        %jit3A_991 = arith.constant 1 : i32
        %jit3A_992 = arith.constant 0 : i32
        %broadcast_in_dim3A_993 = vector.broadcast %jit3A_991 : i32 to vector<16xi32>
        %broadcast_in_dim3A_994 = vector.broadcast %jit3A_992 : i32 to vector<16xi32>
        %select_n3A_995 = arith.select %eq3A_990, %broadcast_in_dim3A_993, %broadcast_in_dim3A_994 : vector<16xi1>, vector<16xi32>
        %mul3A_996 = arith.muli %select_n3A_989, %select_n3A_995 : vector<16xi32>
        %add3A_997 = arith.addi %add3A_933, %mul3A_996 : vector<16xi32>
        %sub3A_998 = arith.constant 6 : i32
        %sub3A_999 = vector.broadcast %sub3A_998 : i32 to vector<16xi32>
        %sub3A_1000 = arith.subi %iota3A, %sub3A_999 : vector<16xi32>
        %max3A_1001 = arith.constant 0 : i32
        %max3A_1002 = vector.broadcast %max3A_1001 : i32 to vector<16xi32>
        %max3A_1003 = arith.maxsi %sub3A_1000, %max3A_1002 : vector<16xi32>
        %lt3A_1004 = arith.constant 0 : i32
        %lt3A_1005 = vector.broadcast %lt3A_1004 : i32 to vector<16xi32>
        %lt3A_1006 = arith.cmpi slt, %max3A_1003, %lt3A_1005 : vector<16xi32>
        %add3A_1007 = arith.constant 16 : i32
        %add3A_1008 = vector.broadcast %add3A_1007 : i32 to vector<16xi32>
        %add3A_1009 = arith.addi %max3A_1003, %add3A_1008 : vector<16xi32>
        %select_n3A_1010 = arith.select %lt3A_1006, %add3A_1009, %max3A_1003 : vector<16xi1>, vector<16xi32>
        %broadcast_in_dim3A_1011 = vector.shape_cast %select_n3A_1010 : vector<16xi32> to vector<16x1xi32>
        %gather3A_1012 = vector.shape_cast %broadcast_in_dim3A_1011 : vector<16x1xi32> to vector<16xi32>
        %gather3A_1013 = tpu.dynamic_gather %get3A_679[%gather3A_1012] in [0] : vector<16xi32>, vector<16xi32> -> vector<16xi32>
        %ge3A_1014 = arith.constant 6 : i32
        %ge3A_1015 = vector.broadcast %ge3A_1014 : i32 to vector<16xi32>
        %ge3A_1016 = arith.cmpi sge, %iota3A, %ge3A_1015 : vector<16xi32>
        %jit3A_1017 = arith.constant 1 : i32
        %jit3A_1018 = arith.constant 0 : i32
        %broadcast_in_dim3A_1019 = vector.broadcast %jit3A_1017 : i32 to vector<16xi32>
        %broadcast_in_dim3A_1020 = vector.broadcast %jit3A_1018 : i32 to vector<16xi32>
        %select_n3A_1021 = arith.select %ge3A_1016, %broadcast_in_dim3A_1019, %broadcast_in_dim3A_1020 : vector<16xi1>, vector<16xi32>
        %eq3A_1022 = arith.cmpi eq, %gather3A_1013, %get3A_679 : vector<16xi32>
        %jit3A_1023 = arith.constant 1 : i32
        %jit3A_1024 = arith.constant 0 : i32
        %broadcast_in_dim3A_1025 = vector.broadcast %jit3A_1023 : i32 to vector<16xi32>
        %broadcast_in_dim3A_1026 = vector.broadcast %jit3A_1024 : i32 to vector<16xi32>
        %select_n3A_1027 = arith.select %eq3A_1022, %broadcast_in_dim3A_1025, %broadcast_in_dim3A_1026 : vector<16xi1>, vector<16xi32>
        %mul3A_1028 = arith.muli %select_n3A_1021, %select_n3A_1027 : vector<16xi32>
        %add3A_1029 = arith.addi %add3A_965, %mul3A_1028 : vector<16xi32>
        %add3A_1030 = arith.constant 6 : i32
        %add3A_1031 = vector.broadcast %add3A_1030 : i32 to vector<16xi32>
        %add3A_1032 = arith.addi %iota3A, %add3A_1031 : vector<16xi32>
        %min3A_1033 = arith.constant 15 : i32
        %min3A_1034 = vector.broadcast %min3A_1033 : i32 to vector<16xi32>
        %min3A_1035 = arith.minsi %add3A_1032, %min3A_1034 : vector<16xi32>
        %lt3A_1036 = arith.constant 0 : i32
        %lt3A_1037 = vector.broadcast %lt3A_1036 : i32 to vector<16xi32>
        %lt3A_1038 = arith.cmpi slt, %min3A_1035, %lt3A_1037 : vector<16xi32>
        %add3A_1039 = arith.constant 16 : i32
        %add3A_1040 = vector.broadcast %add3A_1039 : i32 to vector<16xi32>
        %add3A_1041 = arith.addi %min3A_1035, %add3A_1040 : vector<16xi32>
        %select_n3A_1042 = arith.select %lt3A_1038, %add3A_1041, %min3A_1035 : vector<16xi1>, vector<16xi32>
        %broadcast_in_dim3A_1043 = vector.shape_cast %select_n3A_1042 : vector<16xi32> to vector<16x1xi32>
        %gather3A_1044 = vector.shape_cast %broadcast_in_dim3A_1043 : vector<16x1xi32> to vector<16xi32>
        %gather3A_1045 = tpu.dynamic_gather %get3A_679[%gather3A_1044] in [0] : vector<16xi32>, vector<16xi32> -> vector<16xi32>
        %lt3A_1046 = arith.constant 10 : i32
        %lt3A_1047 = vector.broadcast %lt3A_1046 : i32 to vector<16xi32>
        %lt3A_1048 = arith.cmpi slt, %iota3A, %lt3A_1047 : vector<16xi32>
        %jit3A_1049 = arith.constant 1 : i32
        %jit3A_1050 = arith.constant 0 : i32
        %broadcast_in_dim3A_1051 = vector.broadcast %jit3A_1049 : i32 to vector<16xi32>
        %broadcast_in_dim3A_1052 = vector.broadcast %jit3A_1050 : i32 to vector<16xi32>
        %select_n3A_1053 = arith.select %lt3A_1048, %broadcast_in_dim3A_1051, %broadcast_in_dim3A_1052 : vector<16xi1>, vector<16xi32>
        %eq3A_1054 = arith.cmpi eq, %gather3A_1045, %get3A_679 : vector<16xi32>
        %jit3A_1055 = arith.constant 1 : i32
        %jit3A_1056 = arith.constant 0 : i32
        %broadcast_in_dim3A_1057 = vector.broadcast %jit3A_1055 : i32 to vector<16xi32>
        %broadcast_in_dim3A_1058 = vector.broadcast %jit3A_1056 : i32 to vector<16xi32>
        %select_n3A_1059 = arith.select %eq3A_1054, %broadcast_in_dim3A_1057, %broadcast_in_dim3A_1058 : vector<16xi1>, vector<16xi32>
        %mul3A_1060 = arith.muli %select_n3A_1053, %select_n3A_1059 : vector<16xi32>
        %add3A_1061 = arith.addi %add3A_997, %mul3A_1060 : vector<16xi32>
        %sub3A_1062 = arith.constant 7 : i32
        %sub3A_1063 = vector.broadcast %sub3A_1062 : i32 to vector<16xi32>
        %sub3A_1064 = arith.subi %iota3A, %sub3A_1063 : vector<16xi32>
        %max3A_1065 = arith.constant 0 : i32
        %max3A_1066 = vector.broadcast %max3A_1065 : i32 to vector<16xi32>
        %max3A_1067 = arith.maxsi %sub3A_1064, %max3A_1066 : vector<16xi32>
        %lt3A_1068 = arith.constant 0 : i32
        %lt3A_1069 = vector.broadcast %lt3A_1068 : i32 to vector<16xi32>
        %lt3A_1070 = arith.cmpi slt, %max3A_1067, %lt3A_1069 : vector<16xi32>
        %add3A_1071 = arith.constant 16 : i32
        %add3A_1072 = vector.broadcast %add3A_1071 : i32 to vector<16xi32>
        %add3A_1073 = arith.addi %max3A_1067, %add3A_1072 : vector<16xi32>
        %select_n3A_1074 = arith.select %lt3A_1070, %add3A_1073, %max3A_1067 : vector<16xi1>, vector<16xi32>
        %broadcast_in_dim3A_1075 = vector.shape_cast %select_n3A_1074 : vector<16xi32> to vector<16x1xi32>
        %gather3A_1076 = vector.shape_cast %broadcast_in_dim3A_1075 : vector<16x1xi32> to vector<16xi32>
        %gather3A_1077 = tpu.dynamic_gather %get3A_679[%gather3A_1076] in [0] : vector<16xi32>, vector<16xi32> -> vector<16xi32>
        %ge3A_1078 = arith.constant 7 : i32
        %ge3A_1079 = vector.broadcast %ge3A_1078 : i32 to vector<16xi32>
        %ge3A_1080 = arith.cmpi sge, %iota3A, %ge3A_1079 : vector<16xi32>
        %jit3A_1081 = arith.constant 1 : i32
        %jit3A_1082 = arith.constant 0 : i32
        %broadcast_in_dim3A_1083 = vector.broadcast %jit3A_1081 : i32 to vector<16xi32>
        %broadcast_in_dim3A_1084 = vector.broadcast %jit3A_1082 : i32 to vector<16xi32>
        %select_n3A_1085 = arith.select %ge3A_1080, %broadcast_in_dim3A_1083, %broadcast_in_dim3A_1084 : vector<16xi1>, vector<16xi32>
        %eq3A_1086 = arith.cmpi eq, %gather3A_1077, %get3A_679 : vector<16xi32>
        %jit3A_1087 = arith.constant 1 : i32
        %jit3A_1088 = arith.constant 0 : i32
        %broadcast_in_dim3A_1089 = vector.broadcast %jit3A_1087 : i32 to vector<16xi32>
        %broadcast_in_dim3A_1090 = vector.broadcast %jit3A_1088 : i32 to vector<16xi32>
        %select_n3A_1091 = arith.select %eq3A_1086, %broadcast_in_dim3A_1089, %broadcast_in_dim3A_1090 : vector<16xi1>, vector<16xi32>
        %mul3A_1092 = arith.muli %select_n3A_1085, %select_n3A_1091 : vector<16xi32>
        %add3A_1093 = arith.addi %add3A_1029, %mul3A_1092 : vector<16xi32>
        %add3A_1094 = arith.constant 7 : i32
        %add3A_1095 = vector.broadcast %add3A_1094 : i32 to vector<16xi32>
        %add3A_1096 = arith.addi %iota3A, %add3A_1095 : vector<16xi32>
        %min3A_1097 = arith.constant 15 : i32
        %min3A_1098 = vector.broadcast %min3A_1097 : i32 to vector<16xi32>
        %min3A_1099 = arith.minsi %add3A_1096, %min3A_1098 : vector<16xi32>
        %lt3A_1100 = arith.constant 0 : i32
        %lt3A_1101 = vector.broadcast %lt3A_1100 : i32 to vector<16xi32>
        %lt3A_1102 = arith.cmpi slt, %min3A_1099, %lt3A_1101 : vector<16xi32>
        %add3A_1103 = arith.constant 16 : i32
        %add3A_1104 = vector.broadcast %add3A_1103 : i32 to vector<16xi32>
        %add3A_1105 = arith.addi %min3A_1099, %add3A_1104 : vector<16xi32>
        %select_n3A_1106 = arith.select %lt3A_1102, %add3A_1105, %min3A_1099 : vector<16xi1>, vector<16xi32>
        %broadcast_in_dim3A_1107 = vector.shape_cast %select_n3A_1106 : vector<16xi32> to vector<16x1xi32>
        %gather3A_1108 = vector.shape_cast %broadcast_in_dim3A_1107 : vector<16x1xi32> to vector<16xi32>
        %gather3A_1109 = tpu.dynamic_gather %get3A_679[%gather3A_1108] in [0] : vector<16xi32>, vector<16xi32> -> vector<16xi32>
        %lt3A_1110 = arith.constant 9 : i32
        %lt3A_1111 = vector.broadcast %lt3A_1110 : i32 to vector<16xi32>
        %lt3A_1112 = arith.cmpi slt, %iota3A, %lt3A_1111 : vector<16xi32>
        %jit3A_1113 = arith.constant 1 : i32
        %jit3A_1114 = arith.constant 0 : i32
        %broadcast_in_dim3A_1115 = vector.broadcast %jit3A_1113 : i32 to vector<16xi32>
        %broadcast_in_dim3A_1116 = vector.broadcast %jit3A_1114 : i32 to vector<16xi32>
        %select_n3A_1117 = arith.select %lt3A_1112, %broadcast_in_dim3A_1115, %broadcast_in_dim3A_1116 : vector<16xi1>, vector<16xi32>
        %eq3A_1118 = arith.cmpi eq, %gather3A_1109, %get3A_679 : vector<16xi32>
        %jit3A_1119 = arith.constant 1 : i32
        %jit3A_1120 = arith.constant 0 : i32
        %broadcast_in_dim3A_1121 = vector.broadcast %jit3A_1119 : i32 to vector<16xi32>
        %broadcast_in_dim3A_1122 = vector.broadcast %jit3A_1120 : i32 to vector<16xi32>
        %select_n3A_1123 = arith.select %eq3A_1118, %broadcast_in_dim3A_1121, %broadcast_in_dim3A_1122 : vector<16xi1>, vector<16xi32>
        %mul3A_1124 = arith.muli %select_n3A_1117, %select_n3A_1123 : vector<16xi32>
        %add3A_1125 = arith.addi %add3A_1061, %mul3A_1124 : vector<16xi32>
        %sub3A_1126 = arith.constant 8 : i32
        %sub3A_1127 = vector.broadcast %sub3A_1126 : i32 to vector<16xi32>
        %sub3A_1128 = arith.subi %iota3A, %sub3A_1127 : vector<16xi32>
        %max3A_1129 = arith.constant 0 : i32
        %max3A_1130 = vector.broadcast %max3A_1129 : i32 to vector<16xi32>
        %max3A_1131 = arith.maxsi %sub3A_1128, %max3A_1130 : vector<16xi32>
        %lt3A_1132 = arith.constant 0 : i32
        %lt3A_1133 = vector.broadcast %lt3A_1132 : i32 to vector<16xi32>
        %lt3A_1134 = arith.cmpi slt, %max3A_1131, %lt3A_1133 : vector<16xi32>
        %add3A_1135 = arith.constant 16 : i32
        %add3A_1136 = vector.broadcast %add3A_1135 : i32 to vector<16xi32>
        %add3A_1137 = arith.addi %max3A_1131, %add3A_1136 : vector<16xi32>
        %select_n3A_1138 = arith.select %lt3A_1134, %add3A_1137, %max3A_1131 : vector<16xi1>, vector<16xi32>
        %broadcast_in_dim3A_1139 = vector.shape_cast %select_n3A_1138 : vector<16xi32> to vector<16x1xi32>
        %gather3A_1140 = vector.shape_cast %broadcast_in_dim3A_1139 : vector<16x1xi32> to vector<16xi32>
        %gather3A_1141 = tpu.dynamic_gather %get3A_679[%gather3A_1140] in [0] : vector<16xi32>, vector<16xi32> -> vector<16xi32>
        %ge3A_1142 = arith.constant 8 : i32
        %ge3A_1143 = vector.broadcast %ge3A_1142 : i32 to vector<16xi32>
        %ge3A_1144 = arith.cmpi sge, %iota3A, %ge3A_1143 : vector<16xi32>
        %jit3A_1145 = arith.constant 1 : i32
        %jit3A_1146 = arith.constant 0 : i32
        %broadcast_in_dim3A_1147 = vector.broadcast %jit3A_1145 : i32 to vector<16xi32>
        %broadcast_in_dim3A_1148 = vector.broadcast %jit3A_1146 : i32 to vector<16xi32>
        %select_n3A_1149 = arith.select %ge3A_1144, %broadcast_in_dim3A_1147, %broadcast_in_dim3A_1148 : vector<16xi1>, vector<16xi32>
        %eq3A_1150 = arith.cmpi eq, %gather3A_1141, %get3A_679 : vector<16xi32>
        %jit3A_1151 = arith.constant 1 : i32
        %jit3A_1152 = arith.constant 0 : i32
        %broadcast_in_dim3A_1153 = vector.broadcast %jit3A_1151 : i32 to vector<16xi32>
        %broadcast_in_dim3A_1154 = vector.broadcast %jit3A_1152 : i32 to vector<16xi32>
        %select_n3A_1155 = arith.select %eq3A_1150, %broadcast_in_dim3A_1153, %broadcast_in_dim3A_1154 : vector<16xi1>, vector<16xi32>
        %mul3A_1156 = arith.muli %select_n3A_1149, %select_n3A_1155 : vector<16xi32>
        %add3A_1157 = arith.addi %add3A_1093, %mul3A_1156 : vector<16xi32>
        %add3A_1158 = arith.constant 8 : i32
        %add3A_1159 = vector.broadcast %add3A_1158 : i32 to vector<16xi32>
        %add3A_1160 = arith.addi %iota3A, %add3A_1159 : vector<16xi32>
        %min3A_1161 = arith.constant 15 : i32
        %min3A_1162 = vector.broadcast %min3A_1161 : i32 to vector<16xi32>
        %min3A_1163 = arith.minsi %add3A_1160, %min3A_1162 : vector<16xi32>
        %lt3A_1164 = arith.constant 0 : i32
        %lt3A_1165 = vector.broadcast %lt3A_1164 : i32 to vector<16xi32>
        %lt3A_1166 = arith.cmpi slt, %min3A_1163, %lt3A_1165 : vector<16xi32>
        %add3A_1167 = arith.constant 16 : i32
        %add3A_1168 = vector.broadcast %add3A_1167 : i32 to vector<16xi32>
        %add3A_1169 = arith.addi %min3A_1163, %add3A_1168 : vector<16xi32>
        %select_n3A_1170 = arith.select %lt3A_1166, %add3A_1169, %min3A_1163 : vector<16xi1>, vector<16xi32>
        %broadcast_in_dim3A_1171 = vector.shape_cast %select_n3A_1170 : vector<16xi32> to vector<16x1xi32>
        %gather3A_1172 = vector.shape_cast %broadcast_in_dim3A_1171 : vector<16x1xi32> to vector<16xi32>
        %gather3A_1173 = tpu.dynamic_gather %get3A_679[%gather3A_1172] in [0] : vector<16xi32>, vector<16xi32> -> vector<16xi32>
        %lt3A_1174 = arith.constant 8 : i32
        %lt3A_1175 = vector.broadcast %lt3A_1174 : i32 to vector<16xi32>
        %lt3A_1176 = arith.cmpi slt, %iota3A, %lt3A_1175 : vector<16xi32>
        %jit3A_1177 = arith.constant 1 : i32
        %jit3A_1178 = arith.constant 0 : i32
        %broadcast_in_dim3A_1179 = vector.broadcast %jit3A_1177 : i32 to vector<16xi32>
        %broadcast_in_dim3A_1180 = vector.broadcast %jit3A_1178 : i32 to vector<16xi32>
        %select_n3A_1181 = arith.select %lt3A_1176, %broadcast_in_dim3A_1179, %broadcast_in_dim3A_1180 : vector<16xi1>, vector<16xi32>
        %eq3A_1182 = arith.cmpi eq, %gather3A_1173, %get3A_679 : vector<16xi32>
        %jit3A_1183 = arith.constant 1 : i32
        %jit3A_1184 = arith.constant 0 : i32
        %broadcast_in_dim3A_1185 = vector.broadcast %jit3A_1183 : i32 to vector<16xi32>
        %broadcast_in_dim3A_1186 = vector.broadcast %jit3A_1184 : i32 to vector<16xi32>
        %select_n3A_1187 = arith.select %eq3A_1182, %broadcast_in_dim3A_1185, %broadcast_in_dim3A_1186 : vector<16xi1>, vector<16xi32>
        %mul3A_1188 = arith.muli %select_n3A_1181, %select_n3A_1187 : vector<16xi32>
        %add3A_1189 = arith.addi %add3A_1125, %mul3A_1188 : vector<16xi32>
        %sub3A_1190 = arith.constant 9 : i32
        %sub3A_1191 = vector.broadcast %sub3A_1190 : i32 to vector<16xi32>
        %sub3A_1192 = arith.subi %iota3A, %sub3A_1191 : vector<16xi32>
        %max3A_1193 = arith.constant 0 : i32
        %max3A_1194 = vector.broadcast %max3A_1193 : i32 to vector<16xi32>
        %max3A_1195 = arith.maxsi %sub3A_1192, %max3A_1194 : vector<16xi32>
        %lt3A_1196 = arith.constant 0 : i32
        %lt3A_1197 = vector.broadcast %lt3A_1196 : i32 to vector<16xi32>
        %lt3A_1198 = arith.cmpi slt, %max3A_1195, %lt3A_1197 : vector<16xi32>
        %add3A_1199 = arith.constant 16 : i32
        %add3A_1200 = vector.broadcast %add3A_1199 : i32 to vector<16xi32>
        %add3A_1201 = arith.addi %max3A_1195, %add3A_1200 : vector<16xi32>
        %select_n3A_1202 = arith.select %lt3A_1198, %add3A_1201, %max3A_1195 : vector<16xi1>, vector<16xi32>
        %broadcast_in_dim3A_1203 = vector.shape_cast %select_n3A_1202 : vector<16xi32> to vector<16x1xi32>
        %gather3A_1204 = vector.shape_cast %broadcast_in_dim3A_1203 : vector<16x1xi32> to vector<16xi32>
        %gather3A_1205 = tpu.dynamic_gather %get3A_679[%gather3A_1204] in [0] : vector<16xi32>, vector<16xi32> -> vector<16xi32>
        %ge3A_1206 = arith.constant 9 : i32
        %ge3A_1207 = vector.broadcast %ge3A_1206 : i32 to vector<16xi32>
        %ge3A_1208 = arith.cmpi sge, %iota3A, %ge3A_1207 : vector<16xi32>
        %jit3A_1209 = arith.constant 1 : i32
        %jit3A_1210 = arith.constant 0 : i32
        %broadcast_in_dim3A_1211 = vector.broadcast %jit3A_1209 : i32 to vector<16xi32>
        %broadcast_in_dim3A_1212 = vector.broadcast %jit3A_1210 : i32 to vector<16xi32>
        %select_n3A_1213 = arith.select %ge3A_1208, %broadcast_in_dim3A_1211, %broadcast_in_dim3A_1212 : vector<16xi1>, vector<16xi32>
        %eq3A_1214 = arith.cmpi eq, %gather3A_1205, %get3A_679 : vector<16xi32>
        %jit3A_1215 = arith.constant 1 : i32
        %jit3A_1216 = arith.constant 0 : i32
        %broadcast_in_dim3A_1217 = vector.broadcast %jit3A_1215 : i32 to vector<16xi32>
        %broadcast_in_dim3A_1218 = vector.broadcast %jit3A_1216 : i32 to vector<16xi32>
        %select_n3A_1219 = arith.select %eq3A_1214, %broadcast_in_dim3A_1217, %broadcast_in_dim3A_1218 : vector<16xi1>, vector<16xi32>
        %mul3A_1220 = arith.muli %select_n3A_1213, %select_n3A_1219 : vector<16xi32>
        %add3A_1221 = arith.addi %add3A_1157, %mul3A_1220 : vector<16xi32>
        %add3A_1222 = arith.constant 9 : i32
        %add3A_1223 = vector.broadcast %add3A_1222 : i32 to vector<16xi32>
        %add3A_1224 = arith.addi %iota3A, %add3A_1223 : vector<16xi32>
        %min3A_1225 = arith.constant 15 : i32
        %min3A_1226 = vector.broadcast %min3A_1225 : i32 to vector<16xi32>
        %min3A_1227 = arith.minsi %add3A_1224, %min3A_1226 : vector<16xi32>
        %lt3A_1228 = arith.constant 0 : i32
        %lt3A_1229 = vector.broadcast %lt3A_1228 : i32 to vector<16xi32>
        %lt3A_1230 = arith.cmpi slt, %min3A_1227, %lt3A_1229 : vector<16xi32>
        %add3A_1231 = arith.constant 16 : i32
        %add3A_1232 = vector.broadcast %add3A_1231 : i32 to vector<16xi32>
        %add3A_1233 = arith.addi %min3A_1227, %add3A_1232 : vector<16xi32>
        %select_n3A_1234 = arith.select %lt3A_1230, %add3A_1233, %min3A_1227 : vector<16xi1>, vector<16xi32>
        %broadcast_in_dim3A_1235 = vector.shape_cast %select_n3A_1234 : vector<16xi32> to vector<16x1xi32>
        %gather3A_1236 = vector.shape_cast %broadcast_in_dim3A_1235 : vector<16x1xi32> to vector<16xi32>
        %gather3A_1237 = tpu.dynamic_gather %get3A_679[%gather3A_1236] in [0] : vector<16xi32>, vector<16xi32> -> vector<16xi32>
        %lt3A_1238 = arith.constant 7 : i32
        %lt3A_1239 = vector.broadcast %lt3A_1238 : i32 to vector<16xi32>
        %lt3A_1240 = arith.cmpi slt, %iota3A, %lt3A_1239 : vector<16xi32>
        %jit3A_1241 = arith.constant 1 : i32
        %jit3A_1242 = arith.constant 0 : i32
        %broadcast_in_dim3A_1243 = vector.broadcast %jit3A_1241 : i32 to vector<16xi32>
        %broadcast_in_dim3A_1244 = vector.broadcast %jit3A_1242 : i32 to vector<16xi32>
        %select_n3A_1245 = arith.select %lt3A_1240, %broadcast_in_dim3A_1243, %broadcast_in_dim3A_1244 : vector<16xi1>, vector<16xi32>
        %eq3A_1246 = arith.cmpi eq, %gather3A_1237, %get3A_679 : vector<16xi32>
        %jit3A_1247 = arith.constant 1 : i32
        %jit3A_1248 = arith.constant 0 : i32
        %broadcast_in_dim3A_1249 = vector.broadcast %jit3A_1247 : i32 to vector<16xi32>
        %broadcast_in_dim3A_1250 = vector.broadcast %jit3A_1248 : i32 to vector<16xi32>
        %select_n3A_1251 = arith.select %eq3A_1246, %broadcast_in_dim3A_1249, %broadcast_in_dim3A_1250 : vector<16xi1>, vector<16xi32>
        %mul3A_1252 = arith.muli %select_n3A_1245, %select_n3A_1251 : vector<16xi32>
        %add3A_1253 = arith.addi %add3A_1189, %mul3A_1252 : vector<16xi32>
        %sub3A_1254 = arith.constant 10 : i32
        %sub3A_1255 = vector.broadcast %sub3A_1254 : i32 to vector<16xi32>
        %sub3A_1256 = arith.subi %iota3A, %sub3A_1255 : vector<16xi32>
        %max3A_1257 = arith.constant 0 : i32
        %max3A_1258 = vector.broadcast %max3A_1257 : i32 to vector<16xi32>
        %max3A_1259 = arith.maxsi %sub3A_1256, %max3A_1258 : vector<16xi32>
        %lt3A_1260 = arith.constant 0 : i32
        %lt3A_1261 = vector.broadcast %lt3A_1260 : i32 to vector<16xi32>
        %lt3A_1262 = arith.cmpi slt, %max3A_1259, %lt3A_1261 : vector<16xi32>
        %add3A_1263 = arith.constant 16 : i32
        %add3A_1264 = vector.broadcast %add3A_1263 : i32 to vector<16xi32>
        %add3A_1265 = arith.addi %max3A_1259, %add3A_1264 : vector<16xi32>
        %select_n3A_1266 = arith.select %lt3A_1262, %add3A_1265, %max3A_1259 : vector<16xi1>, vector<16xi32>
        %broadcast_in_dim3A_1267 = vector.shape_cast %select_n3A_1266 : vector<16xi32> to vector<16x1xi32>
        %gather3A_1268 = vector.shape_cast %broadcast_in_dim3A_1267 : vector<16x1xi32> to vector<16xi32>
        %gather3A_1269 = tpu.dynamic_gather %get3A_679[%gather3A_1268] in [0] : vector<16xi32>, vector<16xi32> -> vector<16xi32>
        %ge3A_1270 = arith.constant 10 : i32
        %ge3A_1271 = vector.broadcast %ge3A_1270 : i32 to vector<16xi32>
        %ge3A_1272 = arith.cmpi sge, %iota3A, %ge3A_1271 : vector<16xi32>
        %jit3A_1273 = arith.constant 1 : i32
        %jit3A_1274 = arith.constant 0 : i32
        %broadcast_in_dim3A_1275 = vector.broadcast %jit3A_1273 : i32 to vector<16xi32>
        %broadcast_in_dim3A_1276 = vector.broadcast %jit3A_1274 : i32 to vector<16xi32>
        %select_n3A_1277 = arith.select %ge3A_1272, %broadcast_in_dim3A_1275, %broadcast_in_dim3A_1276 : vector<16xi1>, vector<16xi32>
        %eq3A_1278 = arith.cmpi eq, %gather3A_1269, %get3A_679 : vector<16xi32>
        %jit3A_1279 = arith.constant 1 : i32
        %jit3A_1280 = arith.constant 0 : i32
        %broadcast_in_dim3A_1281 = vector.broadcast %jit3A_1279 : i32 to vector<16xi32>
        %broadcast_in_dim3A_1282 = vector.broadcast %jit3A_1280 : i32 to vector<16xi32>
        %select_n3A_1283 = arith.select %eq3A_1278, %broadcast_in_dim3A_1281, %broadcast_in_dim3A_1282 : vector<16xi1>, vector<16xi32>
        %mul3A_1284 = arith.muli %select_n3A_1277, %select_n3A_1283 : vector<16xi32>
        %add3A_1285 = arith.addi %add3A_1221, %mul3A_1284 : vector<16xi32>
        %add3A_1286 = arith.constant 10 : i32
        %add3A_1287 = vector.broadcast %add3A_1286 : i32 to vector<16xi32>
        %add3A_1288 = arith.addi %iota3A, %add3A_1287 : vector<16xi32>
        %min3A_1289 = arith.constant 15 : i32
        %min3A_1290 = vector.broadcast %min3A_1289 : i32 to vector<16xi32>
        %min3A_1291 = arith.minsi %add3A_1288, %min3A_1290 : vector<16xi32>
        %lt3A_1292 = arith.constant 0 : i32
        %lt3A_1293 = vector.broadcast %lt3A_1292 : i32 to vector<16xi32>
        %lt3A_1294 = arith.cmpi slt, %min3A_1291, %lt3A_1293 : vector<16xi32>
        %add3A_1295 = arith.constant 16 : i32
        %add3A_1296 = vector.broadcast %add3A_1295 : i32 to vector<16xi32>
        %add3A_1297 = arith.addi %min3A_1291, %add3A_1296 : vector<16xi32>
        %select_n3A_1298 = arith.select %lt3A_1294, %add3A_1297, %min3A_1291 : vector<16xi1>, vector<16xi32>
        %broadcast_in_dim3A_1299 = vector.shape_cast %select_n3A_1298 : vector<16xi32> to vector<16x1xi32>
        %gather3A_1300 = vector.shape_cast %broadcast_in_dim3A_1299 : vector<16x1xi32> to vector<16xi32>
        %gather3A_1301 = tpu.dynamic_gather %get3A_679[%gather3A_1300] in [0] : vector<16xi32>, vector<16xi32> -> vector<16xi32>
        %lt3A_1302 = arith.constant 6 : i32
        %lt3A_1303 = vector.broadcast %lt3A_1302 : i32 to vector<16xi32>
        %lt3A_1304 = arith.cmpi slt, %iota3A, %lt3A_1303 : vector<16xi32>
        %jit3A_1305 = arith.constant 1 : i32
        %jit3A_1306 = arith.constant 0 : i32
        %broadcast_in_dim3A_1307 = vector.broadcast %jit3A_1305 : i32 to vector<16xi32>
        %broadcast_in_dim3A_1308 = vector.broadcast %jit3A_1306 : i32 to vector<16xi32>
        %select_n3A_1309 = arith.select %lt3A_1304, %broadcast_in_dim3A_1307, %broadcast_in_dim3A_1308 : vector<16xi1>, vector<16xi32>
        %eq3A_1310 = arith.cmpi eq, %gather3A_1301, %get3A_679 : vector<16xi32>
        %jit3A_1311 = arith.constant 1 : i32
        %jit3A_1312 = arith.constant 0 : i32
        %broadcast_in_dim3A_1313 = vector.broadcast %jit3A_1311 : i32 to vector<16xi32>
        %broadcast_in_dim3A_1314 = vector.broadcast %jit3A_1312 : i32 to vector<16xi32>
        %select_n3A_1315 = arith.select %eq3A_1310, %broadcast_in_dim3A_1313, %broadcast_in_dim3A_1314 : vector<16xi1>, vector<16xi32>
        %mul3A_1316 = arith.muli %select_n3A_1309, %select_n3A_1315 : vector<16xi32>
        %add3A_1317 = arith.addi %add3A_1253, %mul3A_1316 : vector<16xi32>
        %sub3A_1318 = arith.constant 11 : i32
        %sub3A_1319 = vector.broadcast %sub3A_1318 : i32 to vector<16xi32>
        %sub3A_1320 = arith.subi %iota3A, %sub3A_1319 : vector<16xi32>
        %max3A_1321 = arith.constant 0 : i32
        %max3A_1322 = vector.broadcast %max3A_1321 : i32 to vector<16xi32>
        %max3A_1323 = arith.maxsi %sub3A_1320, %max3A_1322 : vector<16xi32>
        %lt3A_1324 = arith.constant 0 : i32
        %lt3A_1325 = vector.broadcast %lt3A_1324 : i32 to vector<16xi32>
        %lt3A_1326 = arith.cmpi slt, %max3A_1323, %lt3A_1325 : vector<16xi32>
        %add3A_1327 = arith.constant 16 : i32
        %add3A_1328 = vector.broadcast %add3A_1327 : i32 to vector<16xi32>
        %add3A_1329 = arith.addi %max3A_1323, %add3A_1328 : vector<16xi32>
        %select_n3A_1330 = arith.select %lt3A_1326, %add3A_1329, %max3A_1323 : vector<16xi1>, vector<16xi32>
        %broadcast_in_dim3A_1331 = vector.shape_cast %select_n3A_1330 : vector<16xi32> to vector<16x1xi32>
        %gather3A_1332 = vector.shape_cast %broadcast_in_dim3A_1331 : vector<16x1xi32> to vector<16xi32>
        %gather3A_1333 = tpu.dynamic_gather %get3A_679[%gather3A_1332] in [0] : vector<16xi32>, vector<16xi32> -> vector<16xi32>
        %ge3A_1334 = arith.constant 11 : i32
        %ge3A_1335 = vector.broadcast %ge3A_1334 : i32 to vector<16xi32>
        %ge3A_1336 = arith.cmpi sge, %iota3A, %ge3A_1335 : vector<16xi32>
        %jit3A_1337 = arith.constant 1 : i32
        %jit3A_1338 = arith.constant 0 : i32
        %broadcast_in_dim3A_1339 = vector.broadcast %jit3A_1337 : i32 to vector<16xi32>
        %broadcast_in_dim3A_1340 = vector.broadcast %jit3A_1338 : i32 to vector<16xi32>
        %select_n3A_1341 = arith.select %ge3A_1336, %broadcast_in_dim3A_1339, %broadcast_in_dim3A_1340 : vector<16xi1>, vector<16xi32>
        %eq3A_1342 = arith.cmpi eq, %gather3A_1333, %get3A_679 : vector<16xi32>
        %jit3A_1343 = arith.constant 1 : i32
        %jit3A_1344 = arith.constant 0 : i32
        %broadcast_in_dim3A_1345 = vector.broadcast %jit3A_1343 : i32 to vector<16xi32>
        %broadcast_in_dim3A_1346 = vector.broadcast %jit3A_1344 : i32 to vector<16xi32>
        %select_n3A_1347 = arith.select %eq3A_1342, %broadcast_in_dim3A_1345, %broadcast_in_dim3A_1346 : vector<16xi1>, vector<16xi32>
        %mul3A_1348 = arith.muli %select_n3A_1341, %select_n3A_1347 : vector<16xi32>
        %add3A_1349 = arith.addi %add3A_1285, %mul3A_1348 : vector<16xi32>
        %add3A_1350 = arith.constant 11 : i32
        %add3A_1351 = vector.broadcast %add3A_1350 : i32 to vector<16xi32>
        %add3A_1352 = arith.addi %iota3A, %add3A_1351 : vector<16xi32>
        %min3A_1353 = arith.constant 15 : i32
        %min3A_1354 = vector.broadcast %min3A_1353 : i32 to vector<16xi32>
        %min3A_1355 = arith.minsi %add3A_1352, %min3A_1354 : vector<16xi32>
        %lt3A_1356 = arith.constant 0 : i32
        %lt3A_1357 = vector.broadcast %lt3A_1356 : i32 to vector<16xi32>
        %lt3A_1358 = arith.cmpi slt, %min3A_1355, %lt3A_1357 : vector<16xi32>
        %add3A_1359 = arith.constant 16 : i32
        %add3A_1360 = vector.broadcast %add3A_1359 : i32 to vector<16xi32>
        %add3A_1361 = arith.addi %min3A_1355, %add3A_1360 : vector<16xi32>
        %select_n3A_1362 = arith.select %lt3A_1358, %add3A_1361, %min3A_1355 : vector<16xi1>, vector<16xi32>
        %broadcast_in_dim3A_1363 = vector.shape_cast %select_n3A_1362 : vector<16xi32> to vector<16x1xi32>
        %gather3A_1364 = vector.shape_cast %broadcast_in_dim3A_1363 : vector<16x1xi32> to vector<16xi32>
        %gather3A_1365 = tpu.dynamic_gather %get3A_679[%gather3A_1364] in [0] : vector<16xi32>, vector<16xi32> -> vector<16xi32>
        %lt3A_1366 = arith.constant 5 : i32
        %lt3A_1367 = vector.broadcast %lt3A_1366 : i32 to vector<16xi32>
        %lt3A_1368 = arith.cmpi slt, %iota3A, %lt3A_1367 : vector<16xi32>
        %jit3A_1369 = arith.constant 1 : i32
        %jit3A_1370 = arith.constant 0 : i32
        %broadcast_in_dim3A_1371 = vector.broadcast %jit3A_1369 : i32 to vector<16xi32>
        %broadcast_in_dim3A_1372 = vector.broadcast %jit3A_1370 : i32 to vector<16xi32>
        %select_n3A_1373 = arith.select %lt3A_1368, %broadcast_in_dim3A_1371, %broadcast_in_dim3A_1372 : vector<16xi1>, vector<16xi32>
        %eq3A_1374 = arith.cmpi eq, %gather3A_1365, %get3A_679 : vector<16xi32>
        %jit3A_1375 = arith.constant 1 : i32
        %jit3A_1376 = arith.constant 0 : i32
        %broadcast_in_dim3A_1377 = vector.broadcast %jit3A_1375 : i32 to vector<16xi32>
        %broadcast_in_dim3A_1378 = vector.broadcast %jit3A_1376 : i32 to vector<16xi32>
        %select_n3A_1379 = arith.select %eq3A_1374, %broadcast_in_dim3A_1377, %broadcast_in_dim3A_1378 : vector<16xi1>, vector<16xi32>
        %mul3A_1380 = arith.muli %select_n3A_1373, %select_n3A_1379 : vector<16xi32>
        %add3A_1381 = arith.addi %add3A_1317, %mul3A_1380 : vector<16xi32>
        %sub3A_1382 = arith.constant 12 : i32
        %sub3A_1383 = vector.broadcast %sub3A_1382 : i32 to vector<16xi32>
        %sub3A_1384 = arith.subi %iota3A, %sub3A_1383 : vector<16xi32>
        %max3A_1385 = arith.constant 0 : i32
        %max3A_1386 = vector.broadcast %max3A_1385 : i32 to vector<16xi32>
        %max3A_1387 = arith.maxsi %sub3A_1384, %max3A_1386 : vector<16xi32>
        %lt3A_1388 = arith.constant 0 : i32
        %lt3A_1389 = vector.broadcast %lt3A_1388 : i32 to vector<16xi32>
        %lt3A_1390 = arith.cmpi slt, %max3A_1387, %lt3A_1389 : vector<16xi32>
        %add3A_1391 = arith.constant 16 : i32
        %add3A_1392 = vector.broadcast %add3A_1391 : i32 to vector<16xi32>
        %add3A_1393 = arith.addi %max3A_1387, %add3A_1392 : vector<16xi32>
        %select_n3A_1394 = arith.select %lt3A_1390, %add3A_1393, %max3A_1387 : vector<16xi1>, vector<16xi32>
        %broadcast_in_dim3A_1395 = vector.shape_cast %select_n3A_1394 : vector<16xi32> to vector<16x1xi32>
        %gather3A_1396 = vector.shape_cast %broadcast_in_dim3A_1395 : vector<16x1xi32> to vector<16xi32>
        %gather3A_1397 = tpu.dynamic_gather %get3A_679[%gather3A_1396] in [0] : vector<16xi32>, vector<16xi32> -> vector<16xi32>
        %ge3A_1398 = arith.constant 12 : i32
        %ge3A_1399 = vector.broadcast %ge3A_1398 : i32 to vector<16xi32>
        %ge3A_1400 = arith.cmpi sge, %iota3A, %ge3A_1399 : vector<16xi32>
        %jit3A_1401 = arith.constant 1 : i32
        %jit3A_1402 = arith.constant 0 : i32
        %broadcast_in_dim3A_1403 = vector.broadcast %jit3A_1401 : i32 to vector<16xi32>
        %broadcast_in_dim3A_1404 = vector.broadcast %jit3A_1402 : i32 to vector<16xi32>
        %select_n3A_1405 = arith.select %ge3A_1400, %broadcast_in_dim3A_1403, %broadcast_in_dim3A_1404 : vector<16xi1>, vector<16xi32>
        %eq3A_1406 = arith.cmpi eq, %gather3A_1397, %get3A_679 : vector<16xi32>
        %jit3A_1407 = arith.constant 1 : i32
        %jit3A_1408 = arith.constant 0 : i32
        %broadcast_in_dim3A_1409 = vector.broadcast %jit3A_1407 : i32 to vector<16xi32>
        %broadcast_in_dim3A_1410 = vector.broadcast %jit3A_1408 : i32 to vector<16xi32>
        %select_n3A_1411 = arith.select %eq3A_1406, %broadcast_in_dim3A_1409, %broadcast_in_dim3A_1410 : vector<16xi1>, vector<16xi32>
        %mul3A_1412 = arith.muli %select_n3A_1405, %select_n3A_1411 : vector<16xi32>
        %add3A_1413 = arith.addi %add3A_1349, %mul3A_1412 : vector<16xi32>
        %add3A_1414 = arith.constant 12 : i32
        %add3A_1415 = vector.broadcast %add3A_1414 : i32 to vector<16xi32>
        %add3A_1416 = arith.addi %iota3A, %add3A_1415 : vector<16xi32>
        %min3A_1417 = arith.constant 15 : i32
        %min3A_1418 = vector.broadcast %min3A_1417 : i32 to vector<16xi32>
        %min3A_1419 = arith.minsi %add3A_1416, %min3A_1418 : vector<16xi32>
        %lt3A_1420 = arith.constant 0 : i32
        %lt3A_1421 = vector.broadcast %lt3A_1420 : i32 to vector<16xi32>
        %lt3A_1422 = arith.cmpi slt, %min3A_1419, %lt3A_1421 : vector<16xi32>
        %add3A_1423 = arith.constant 16 : i32
        %add3A_1424 = vector.broadcast %add3A_1423 : i32 to vector<16xi32>
        %add3A_1425 = arith.addi %min3A_1419, %add3A_1424 : vector<16xi32>
        %select_n3A_1426 = arith.select %lt3A_1422, %add3A_1425, %min3A_1419 : vector<16xi1>, vector<16xi32>
        %broadcast_in_dim3A_1427 = vector.shape_cast %select_n3A_1426 : vector<16xi32> to vector<16x1xi32>
        %gather3A_1428 = vector.shape_cast %broadcast_in_dim3A_1427 : vector<16x1xi32> to vector<16xi32>
        %gather3A_1429 = tpu.dynamic_gather %get3A_679[%gather3A_1428] in [0] : vector<16xi32>, vector<16xi32> -> vector<16xi32>
        %lt3A_1430 = arith.constant 4 : i32
        %lt3A_1431 = vector.broadcast %lt3A_1430 : i32 to vector<16xi32>
        %lt3A_1432 = arith.cmpi slt, %iota3A, %lt3A_1431 : vector<16xi32>
        %jit3A_1433 = arith.constant 1 : i32
        %jit3A_1434 = arith.constant 0 : i32
        %broadcast_in_dim3A_1435 = vector.broadcast %jit3A_1433 : i32 to vector<16xi32>
        %broadcast_in_dim3A_1436 = vector.broadcast %jit3A_1434 : i32 to vector<16xi32>
        %select_n3A_1437 = arith.select %lt3A_1432, %broadcast_in_dim3A_1435, %broadcast_in_dim3A_1436 : vector<16xi1>, vector<16xi32>
        %eq3A_1438 = arith.cmpi eq, %gather3A_1429, %get3A_679 : vector<16xi32>
        %jit3A_1439 = arith.constant 1 : i32
        %jit3A_1440 = arith.constant 0 : i32
        %broadcast_in_dim3A_1441 = vector.broadcast %jit3A_1439 : i32 to vector<16xi32>
        %broadcast_in_dim3A_1442 = vector.broadcast %jit3A_1440 : i32 to vector<16xi32>
        %select_n3A_1443 = arith.select %eq3A_1438, %broadcast_in_dim3A_1441, %broadcast_in_dim3A_1442 : vector<16xi1>, vector<16xi32>
        %mul3A_1444 = arith.muli %select_n3A_1437, %select_n3A_1443 : vector<16xi32>
        %add3A_1445 = arith.addi %add3A_1381, %mul3A_1444 : vector<16xi32>
        %sub3A_1446 = arith.constant 13 : i32
        %sub3A_1447 = vector.broadcast %sub3A_1446 : i32 to vector<16xi32>
        %sub3A_1448 = arith.subi %iota3A, %sub3A_1447 : vector<16xi32>
        %max3A_1449 = arith.constant 0 : i32
        %max3A_1450 = vector.broadcast %max3A_1449 : i32 to vector<16xi32>
        %max3A_1451 = arith.maxsi %sub3A_1448, %max3A_1450 : vector<16xi32>
        %lt3A_1452 = arith.constant 0 : i32
        %lt3A_1453 = vector.broadcast %lt3A_1452 : i32 to vector<16xi32>
        %lt3A_1454 = arith.cmpi slt, %max3A_1451, %lt3A_1453 : vector<16xi32>
        %add3A_1455 = arith.constant 16 : i32
        %add3A_1456 = vector.broadcast %add3A_1455 : i32 to vector<16xi32>
        %add3A_1457 = arith.addi %max3A_1451, %add3A_1456 : vector<16xi32>
        %select_n3A_1458 = arith.select %lt3A_1454, %add3A_1457, %max3A_1451 : vector<16xi1>, vector<16xi32>
        %broadcast_in_dim3A_1459 = vector.shape_cast %select_n3A_1458 : vector<16xi32> to vector<16x1xi32>
        %gather3A_1460 = vector.shape_cast %broadcast_in_dim3A_1459 : vector<16x1xi32> to vector<16xi32>
        %gather3A_1461 = tpu.dynamic_gather %get3A_679[%gather3A_1460] in [0] : vector<16xi32>, vector<16xi32> -> vector<16xi32>
        %ge3A_1462 = arith.constant 13 : i32
        %ge3A_1463 = vector.broadcast %ge3A_1462 : i32 to vector<16xi32>
        %ge3A_1464 = arith.cmpi sge, %iota3A, %ge3A_1463 : vector<16xi32>
        %jit3A_1465 = arith.constant 1 : i32
        %jit3A_1466 = arith.constant 0 : i32
        %broadcast_in_dim3A_1467 = vector.broadcast %jit3A_1465 : i32 to vector<16xi32>
        %broadcast_in_dim3A_1468 = vector.broadcast %jit3A_1466 : i32 to vector<16xi32>
        %select_n3A_1469 = arith.select %ge3A_1464, %broadcast_in_dim3A_1467, %broadcast_in_dim3A_1468 : vector<16xi1>, vector<16xi32>
        %eq3A_1470 = arith.cmpi eq, %gather3A_1461, %get3A_679 : vector<16xi32>
        %jit3A_1471 = arith.constant 1 : i32
        %jit3A_1472 = arith.constant 0 : i32
        %broadcast_in_dim3A_1473 = vector.broadcast %jit3A_1471 : i32 to vector<16xi32>
        %broadcast_in_dim3A_1474 = vector.broadcast %jit3A_1472 : i32 to vector<16xi32>
        %select_n3A_1475 = arith.select %eq3A_1470, %broadcast_in_dim3A_1473, %broadcast_in_dim3A_1474 : vector<16xi1>, vector<16xi32>
        %mul3A_1476 = arith.muli %select_n3A_1469, %select_n3A_1475 : vector<16xi32>
        %add3A_1477 = arith.addi %add3A_1413, %mul3A_1476 : vector<16xi32>
        %add3A_1478 = arith.constant 13 : i32
        %add3A_1479 = vector.broadcast %add3A_1478 : i32 to vector<16xi32>
        %add3A_1480 = arith.addi %iota3A, %add3A_1479 : vector<16xi32>
        %min3A_1481 = arith.constant 15 : i32
        %min3A_1482 = vector.broadcast %min3A_1481 : i32 to vector<16xi32>
        %min3A_1483 = arith.minsi %add3A_1480, %min3A_1482 : vector<16xi32>
        %lt3A_1484 = arith.constant 0 : i32
        %lt3A_1485 = vector.broadcast %lt3A_1484 : i32 to vector<16xi32>
        %lt3A_1486 = arith.cmpi slt, %min3A_1483, %lt3A_1485 : vector<16xi32>
        %add3A_1487 = arith.constant 16 : i32
        %add3A_1488 = vector.broadcast %add3A_1487 : i32 to vector<16xi32>
        %add3A_1489 = arith.addi %min3A_1483, %add3A_1488 : vector<16xi32>
        %select_n3A_1490 = arith.select %lt3A_1486, %add3A_1489, %min3A_1483 : vector<16xi1>, vector<16xi32>
        %broadcast_in_dim3A_1491 = vector.shape_cast %select_n3A_1490 : vector<16xi32> to vector<16x1xi32>
        %gather3A_1492 = vector.shape_cast %broadcast_in_dim3A_1491 : vector<16x1xi32> to vector<16xi32>
        %gather3A_1493 = tpu.dynamic_gather %get3A_679[%gather3A_1492] in [0] : vector<16xi32>, vector<16xi32> -> vector<16xi32>
        %lt3A_1494 = arith.constant 3 : i32
        %lt3A_1495 = vector.broadcast %lt3A_1494 : i32 to vector<16xi32>
        %lt3A_1496 = arith.cmpi slt, %iota3A, %lt3A_1495 : vector<16xi32>
        %jit3A_1497 = arith.constant 1 : i32
        %jit3A_1498 = arith.constant 0 : i32
        %broadcast_in_dim3A_1499 = vector.broadcast %jit3A_1497 : i32 to vector<16xi32>
        %broadcast_in_dim3A_1500 = vector.broadcast %jit3A_1498 : i32 to vector<16xi32>
        %select_n3A_1501 = arith.select %lt3A_1496, %broadcast_in_dim3A_1499, %broadcast_in_dim3A_1500 : vector<16xi1>, vector<16xi32>
        %eq3A_1502 = arith.cmpi eq, %gather3A_1493, %get3A_679 : vector<16xi32>
        %jit3A_1503 = arith.constant 1 : i32
        %jit3A_1504 = arith.constant 0 : i32
        %broadcast_in_dim3A_1505 = vector.broadcast %jit3A_1503 : i32 to vector<16xi32>
        %broadcast_in_dim3A_1506 = vector.broadcast %jit3A_1504 : i32 to vector<16xi32>
        %select_n3A_1507 = arith.select %eq3A_1502, %broadcast_in_dim3A_1505, %broadcast_in_dim3A_1506 : vector<16xi1>, vector<16xi32>
        %mul3A_1508 = arith.muli %select_n3A_1501, %select_n3A_1507 : vector<16xi32>
        %add3A_1509 = arith.addi %add3A_1445, %mul3A_1508 : vector<16xi32>
        %sub3A_1510 = arith.constant 14 : i32
        %sub3A_1511 = vector.broadcast %sub3A_1510 : i32 to vector<16xi32>
        %sub3A_1512 = arith.subi %iota3A, %sub3A_1511 : vector<16xi32>
        %max3A_1513 = arith.constant 0 : i32
        %max3A_1514 = vector.broadcast %max3A_1513 : i32 to vector<16xi32>
        %max3A_1515 = arith.maxsi %sub3A_1512, %max3A_1514 : vector<16xi32>
        %lt3A_1516 = arith.constant 0 : i32
        %lt3A_1517 = vector.broadcast %lt3A_1516 : i32 to vector<16xi32>
        %lt3A_1518 = arith.cmpi slt, %max3A_1515, %lt3A_1517 : vector<16xi32>
        %add3A_1519 = arith.constant 16 : i32
        %add3A_1520 = vector.broadcast %add3A_1519 : i32 to vector<16xi32>
        %add3A_1521 = arith.addi %max3A_1515, %add3A_1520 : vector<16xi32>
        %select_n3A_1522 = arith.select %lt3A_1518, %add3A_1521, %max3A_1515 : vector<16xi1>, vector<16xi32>
        %broadcast_in_dim3A_1523 = vector.shape_cast %select_n3A_1522 : vector<16xi32> to vector<16x1xi32>
        %gather3A_1524 = vector.shape_cast %broadcast_in_dim3A_1523 : vector<16x1xi32> to vector<16xi32>
        %gather3A_1525 = tpu.dynamic_gather %get3A_679[%gather3A_1524] in [0] : vector<16xi32>, vector<16xi32> -> vector<16xi32>
        %ge3A_1526 = arith.constant 14 : i32
        %ge3A_1527 = vector.broadcast %ge3A_1526 : i32 to vector<16xi32>
        %ge3A_1528 = arith.cmpi sge, %iota3A, %ge3A_1527 : vector<16xi32>
        %jit3A_1529 = arith.constant 1 : i32
        %jit3A_1530 = arith.constant 0 : i32
        %broadcast_in_dim3A_1531 = vector.broadcast %jit3A_1529 : i32 to vector<16xi32>
        %broadcast_in_dim3A_1532 = vector.broadcast %jit3A_1530 : i32 to vector<16xi32>
        %select_n3A_1533 = arith.select %ge3A_1528, %broadcast_in_dim3A_1531, %broadcast_in_dim3A_1532 : vector<16xi1>, vector<16xi32>
        %eq3A_1534 = arith.cmpi eq, %gather3A_1525, %get3A_679 : vector<16xi32>
        %jit3A_1535 = arith.constant 1 : i32
        %jit3A_1536 = arith.constant 0 : i32
        %broadcast_in_dim3A_1537 = vector.broadcast %jit3A_1535 : i32 to vector<16xi32>
        %broadcast_in_dim3A_1538 = vector.broadcast %jit3A_1536 : i32 to vector<16xi32>
        %select_n3A_1539 = arith.select %eq3A_1534, %broadcast_in_dim3A_1537, %broadcast_in_dim3A_1538 : vector<16xi1>, vector<16xi32>
        %mul3A_1540 = arith.muli %select_n3A_1533, %select_n3A_1539 : vector<16xi32>
        %add3A_1541 = arith.addi %add3A_1477, %mul3A_1540 : vector<16xi32>
        %add3A_1542 = arith.constant 14 : i32
        %add3A_1543 = vector.broadcast %add3A_1542 : i32 to vector<16xi32>
        %add3A_1544 = arith.addi %iota3A, %add3A_1543 : vector<16xi32>
        %min3A_1545 = arith.constant 15 : i32
        %min3A_1546 = vector.broadcast %min3A_1545 : i32 to vector<16xi32>
        %min3A_1547 = arith.minsi %add3A_1544, %min3A_1546 : vector<16xi32>
        %lt3A_1548 = arith.constant 0 : i32
        %lt3A_1549 = vector.broadcast %lt3A_1548 : i32 to vector<16xi32>
        %lt3A_1550 = arith.cmpi slt, %min3A_1547, %lt3A_1549 : vector<16xi32>
        %add3A_1551 = arith.constant 16 : i32
        %add3A_1552 = vector.broadcast %add3A_1551 : i32 to vector<16xi32>
        %add3A_1553 = arith.addi %min3A_1547, %add3A_1552 : vector<16xi32>
        %select_n3A_1554 = arith.select %lt3A_1550, %add3A_1553, %min3A_1547 : vector<16xi1>, vector<16xi32>
        %broadcast_in_dim3A_1555 = vector.shape_cast %select_n3A_1554 : vector<16xi32> to vector<16x1xi32>
        %gather3A_1556 = vector.shape_cast %broadcast_in_dim3A_1555 : vector<16x1xi32> to vector<16xi32>
        %gather3A_1557 = tpu.dynamic_gather %get3A_679[%gather3A_1556] in [0] : vector<16xi32>, vector<16xi32> -> vector<16xi32>
        %lt3A_1558 = arith.constant 2 : i32
        %lt3A_1559 = vector.broadcast %lt3A_1558 : i32 to vector<16xi32>
        %lt3A_1560 = arith.cmpi slt, %iota3A, %lt3A_1559 : vector<16xi32>
        %jit3A_1561 = arith.constant 1 : i32
        %jit3A_1562 = arith.constant 0 : i32
        %broadcast_in_dim3A_1563 = vector.broadcast %jit3A_1561 : i32 to vector<16xi32>
        %broadcast_in_dim3A_1564 = vector.broadcast %jit3A_1562 : i32 to vector<16xi32>
        %select_n3A_1565 = arith.select %lt3A_1560, %broadcast_in_dim3A_1563, %broadcast_in_dim3A_1564 : vector<16xi1>, vector<16xi32>
        %eq3A_1566 = arith.cmpi eq, %gather3A_1557, %get3A_679 : vector<16xi32>
        %jit3A_1567 = arith.constant 1 : i32
        %jit3A_1568 = arith.constant 0 : i32
        %broadcast_in_dim3A_1569 = vector.broadcast %jit3A_1567 : i32 to vector<16xi32>
        %broadcast_in_dim3A_1570 = vector.broadcast %jit3A_1568 : i32 to vector<16xi32>
        %select_n3A_1571 = arith.select %eq3A_1566, %broadcast_in_dim3A_1569, %broadcast_in_dim3A_1570 : vector<16xi1>, vector<16xi32>
        %mul3A_1572 = arith.muli %select_n3A_1565, %select_n3A_1571 : vector<16xi32>
        %add3A_1573 = arith.addi %add3A_1509, %mul3A_1572 : vector<16xi32>
        %sub3A_1574 = arith.constant 15 : i32
        %sub3A_1575 = vector.broadcast %sub3A_1574 : i32 to vector<16xi32>
        %sub3A_1576 = arith.subi %iota3A, %sub3A_1575 : vector<16xi32>
        %max3A_1577 = arith.constant 0 : i32
        %max3A_1578 = vector.broadcast %max3A_1577 : i32 to vector<16xi32>
        %max3A_1579 = arith.maxsi %sub3A_1576, %max3A_1578 : vector<16xi32>
        %lt3A_1580 = arith.constant 0 : i32
        %lt3A_1581 = vector.broadcast %lt3A_1580 : i32 to vector<16xi32>
        %lt3A_1582 = arith.cmpi slt, %max3A_1579, %lt3A_1581 : vector<16xi32>
        %add3A_1583 = arith.constant 16 : i32
        %add3A_1584 = vector.broadcast %add3A_1583 : i32 to vector<16xi32>
        %add3A_1585 = arith.addi %max3A_1579, %add3A_1584 : vector<16xi32>
        %select_n3A_1586 = arith.select %lt3A_1582, %add3A_1585, %max3A_1579 : vector<16xi1>, vector<16xi32>
        %broadcast_in_dim3A_1587 = vector.shape_cast %select_n3A_1586 : vector<16xi32> to vector<16x1xi32>
        %gather3A_1588 = vector.shape_cast %broadcast_in_dim3A_1587 : vector<16x1xi32> to vector<16xi32>
        %gather3A_1589 = tpu.dynamic_gather %get3A_679[%gather3A_1588] in [0] : vector<16xi32>, vector<16xi32> -> vector<16xi32>
        %ge3A_1590 = arith.constant 15 : i32
        %ge3A_1591 = vector.broadcast %ge3A_1590 : i32 to vector<16xi32>
        %ge3A_1592 = arith.cmpi sge, %iota3A, %ge3A_1591 : vector<16xi32>
        %jit3A_1593 = arith.constant 1 : i32
        %jit3A_1594 = arith.constant 0 : i32
        %broadcast_in_dim3A_1595 = vector.broadcast %jit3A_1593 : i32 to vector<16xi32>
        %broadcast_in_dim3A_1596 = vector.broadcast %jit3A_1594 : i32 to vector<16xi32>
        %select_n3A_1597 = arith.select %ge3A_1592, %broadcast_in_dim3A_1595, %broadcast_in_dim3A_1596 : vector<16xi1>, vector<16xi32>
        %eq3A_1598 = arith.cmpi eq, %gather3A_1589, %get3A_679 : vector<16xi32>
        %jit3A_1599 = arith.constant 1 : i32
        %jit3A_1600 = arith.constant 0 : i32
        %broadcast_in_dim3A_1601 = vector.broadcast %jit3A_1599 : i32 to vector<16xi32>
        %broadcast_in_dim3A_1602 = vector.broadcast %jit3A_1600 : i32 to vector<16xi32>
        %select_n3A_1603 = arith.select %eq3A_1598, %broadcast_in_dim3A_1601, %broadcast_in_dim3A_1602 : vector<16xi1>, vector<16xi32>
        %mul3A_1604 = arith.muli %select_n3A_1597, %select_n3A_1603 : vector<16xi32>
        %add3A_1605 = arith.addi %add3A_1541, %mul3A_1604 : vector<16xi32>
        %add3A_1606 = arith.constant 15 : i32
        %add3A_1607 = vector.broadcast %add3A_1606 : i32 to vector<16xi32>
        %add3A_1608 = arith.addi %iota3A, %add3A_1607 : vector<16xi32>
        %min3A_1609 = arith.constant 15 : i32
        %min3A_1610 = vector.broadcast %min3A_1609 : i32 to vector<16xi32>
        %min3A_1611 = arith.minsi %add3A_1608, %min3A_1610 : vector<16xi32>
        %lt3A_1612 = arith.constant 0 : i32
        %lt3A_1613 = vector.broadcast %lt3A_1612 : i32 to vector<16xi32>
        %lt3A_1614 = arith.cmpi slt, %min3A_1611, %lt3A_1613 : vector<16xi32>
        %add3A_1615 = arith.constant 16 : i32
        %add3A_1616 = vector.broadcast %add3A_1615 : i32 to vector<16xi32>
        %add3A_1617 = arith.addi %min3A_1611, %add3A_1616 : vector<16xi32>
        %select_n3A_1618 = arith.select %lt3A_1614, %add3A_1617, %min3A_1611 : vector<16xi1>, vector<16xi32>
        %broadcast_in_dim3A_1619 = vector.shape_cast %select_n3A_1618 : vector<16xi32> to vector<16x1xi32>
        %gather3A_1620 = vector.shape_cast %broadcast_in_dim3A_1619 : vector<16x1xi32> to vector<16xi32>
        %gather3A_1621 = tpu.dynamic_gather %get3A_679[%gather3A_1620] in [0] : vector<16xi32>, vector<16xi32> -> vector<16xi32>
        %lt3A_1622 = arith.constant 1 : i32
        %lt3A_1623 = vector.broadcast %lt3A_1622 : i32 to vector<16xi32>
        %lt3A_1624 = arith.cmpi slt, %iota3A, %lt3A_1623 : vector<16xi32>
        %jit3A_1625 = arith.constant 1 : i32
        %jit3A_1626 = arith.constant 0 : i32
        %broadcast_in_dim3A_1627 = vector.broadcast %jit3A_1625 : i32 to vector<16xi32>
        %broadcast_in_dim3A_1628 = vector.broadcast %jit3A_1626 : i32 to vector<16xi32>
        %select_n3A_1629 = arith.select %lt3A_1624, %broadcast_in_dim3A_1627, %broadcast_in_dim3A_1628 : vector<16xi1>, vector<16xi32>
        %eq3A_1630 = arith.cmpi eq, %gather3A_1621, %get3A_679 : vector<16xi32>
        %jit3A_1631 = arith.constant 1 : i32
        %jit3A_1632 = arith.constant 0 : i32
        %broadcast_in_dim3A_1633 = vector.broadcast %jit3A_1631 : i32 to vector<16xi32>
        %broadcast_in_dim3A_1634 = vector.broadcast %jit3A_1632 : i32 to vector<16xi32>
        %select_n3A_1635 = arith.select %eq3A_1630, %broadcast_in_dim3A_1633, %broadcast_in_dim3A_1634 : vector<16xi1>, vector<16xi32>
        %mul3A_1636 = arith.muli %select_n3A_1629, %select_n3A_1635 : vector<16xi32>
        %add3A_1637 = arith.addi %add3A_1573, %mul3A_1636 : vector<16xi32>
        %gather3A_1638 = tpu.vector_load_idx %arg6[%get3A_679] : memref<64xi32, #tpu.memory_space<vmem>>[vector<16xi32>], vector<16xi32>,
        %add3A_1639 = arith.addi %gather3A_1638, %add3A_1605 : vector<16xi32>
        %mul3A_1640 = arith.constant 16 : i32
        %mul3A_1641 = arith.muli %scan3A_675, %mul3A_1640 : i32
        %swap3A_1642 = arith.index_cast %mul3A_1641 : i32 to index
        %swap3A_1643 = tpu.vector_load %arg5[%swap3A_1642] {strides = array<i32>} : memref<2048xi32, #tpu.memory_space<vmem>>, vector<16xi32>,
        tpu.vector_store %arg5[%swap3A_1642], %add3A_1639 {strides = array<i32>} : memref<2048xi32, #tpu.memory_space<vmem>>, vector<16xi32>,
        %add3A_1644 = arith.addi %gather3A_1638, %add3A_1605 : vector<16xi32>
        %add3A_1645 = arith.constant 1 : i32
        %add3A_1646 = vector.broadcast %add3A_1645 : i32 to vector<16xi32>
        %add3A_1647 = arith.addi %add3A_1644, %add3A_1646 : vector<16xi32>
        %eq3A_1648 = arith.constant 0 : i32
        %eq3A_1649 = vector.broadcast %eq3A_1648 : i32 to vector<16xi32>
        %eq3A_1650 = arith.cmpi eq, %add3A_1637, %eq3A_1649 : vector<16xi32>
        tpu.vector_store_idx %arg6[%get3A_679], %add3A_1647 masked %eq3A_1650 : memref<64xi32, #tpu.memory_space<vmem>>[vector<16xi32>], vector<16xi32>, vector<16xi1>
      }
      %scan3A_15 = arith.constant 128 : i32
      %mul3A_16 = arith.constant 64 : i32
      %mul3A_17 = arith.muli %arg1, %mul3A_16 : i32
      "tpu.region"() ({
        %run_scoped3A = tpu.sem_alloc : memref<!tpu.dma_semaphore, #tpu.memory_space<semaphore_mem>>
        %dma_start3A = tpu.memref_slice %arg9[%mul3A_17] : memref<1024xi32, #tpu.memory_space<vmem_shared>> -> memref<64xi32, #tpu.memory_space<vmem_shared>>
        %dma_start3A_675 = tpu.memref_slice %arg9[%mul3A_17] : memref<1024xi32, #tpu.memory_space<vmem_shared>> -> memref<64xi32, #tpu.memory_space<vmem_shared>>
        tpu.enqueue_dma source(%arg6 : memref<64xi32, #tpu.memory_space<vmem>>) target(%dma_start3A_675 : memref<64xi32, #tpu.memory_space<vmem_shared>>) target_semaphore(%run_scoped3A : memref<!tpu.dma_semaphore, #tpu.memory_space<semaphore_mem>>)
        %dma_wait3A = tpu.memref_slice %arg9[%mul3A_17] : memref<1024xi32, #tpu.memory_space<vmem_shared>> -> memref<64xi32, #tpu.memory_space<vmem_shared>>
        %dma_wait3A_676 = tpu.memref_slice %arg9[%mul3A_17] : memref<1024xi32, #tpu.memory_space<vmem_shared>> -> memref<64xi32, #tpu.memory_space<vmem_shared>>
        tpu.wait_dma2 semaphore(%run_scoped3A : memref<!tpu.dma_semaphore, #tpu.memory_space<semaphore_mem>>) src(%arg6 : memref<64xi32, #tpu.memory_space<vmem>>) dst(%dma_wait3A_676 : memref<64xi32, #tpu.memory_space<vmem_shared>>)
        tpu.yield
      }) : () -> ()
      %barrier3A = arith.constant 0 : index
      tpu.barrier barrier_id(%barrier3A)
      "tpu.region"() ({
        %run_scoped3A = tpu.sem_alloc : memref<!tpu.dma_semaphore, #tpu.memory_space<semaphore_mem>>
        tpu.enqueue_dma source(%arg9 : memref<1024xi32, #tpu.memory_space<vmem_shared>>) target(%arg7 : memref<1024xi32, #tpu.memory_space<vmem>>) target_semaphore(%run_scoped3A : memref<!tpu.dma_semaphore, #tpu.memory_space<semaphore_mem>>)
        tpu.wait_dma2 semaphore(%run_scoped3A : memref<!tpu.dma_semaphore, #tpu.memory_space<semaphore_mem>>) src(%arg9 : memref<1024xi32, #tpu.memory_space<vmem_shared>>) dst(%arg7 : memref<1024xi32, #tpu.memory_space<vmem>>)
        tpu.yield
      }) : () -> ()
      %broadcast_in_dim3A_18 = arith.constant 0 : i32
      %broadcast_in_dim3A_19 = vector.broadcast %broadcast_in_dim3A_18 : i32 to vector<16xi32>
      %get3A = arith.constant 0 : index
      %get3A_20 = tpu.vector_load %arg7[%get3A] {strides = array<i32>} : memref<1024xi32, #tpu.memory_space<vmem>>, vector<16xi32>,
      %gt3A = arith.constant 0 : i32
      %gt3A_21 = arith.cmpi sgt, %arg1, %gt3A : i32
      %jit3A = arith.constant 1 : i32
      %jit3A_22 = arith.constant 0 : i32
      %select_n3A = arith.select %gt3A_21, %jit3A, %jit3A_22 : i32
      %mul3A_23 = vector.broadcast %select_n3A : i32 to vector<16xi32>
      %mul3A_24 = arith.muli %get3A_20, %mul3A_23 : vector<16xi32>
      %add3A = arith.addi %broadcast_in_dim3A_19, %mul3A_24 : vector<16xi32>
      %get3A_25 = arith.constant 64 : index
      %get3A_26 = tpu.vector_load %arg7[%get3A_25] {strides = array<i32>} : memref<1024xi32, #tpu.memory_space<vmem>>, vector<16xi32>,
      %gt3A_27 = arith.constant 1 : i32
      %gt3A_28 = arith.cmpi sgt, %arg1, %gt3A_27 : i32
      %jit3A_29 = arith.constant 1 : i32
      %jit3A_30 = arith.constant 0 : i32
      %select_n3A_31 = arith.select %gt3A_28, %jit3A_29, %jit3A_30 : i32
      %mul3A_32 = vector.broadcast %select_n3A_31 : i32 to vector<16xi32>
      %mul3A_33 = arith.muli %get3A_26, %mul3A_32 : vector<16xi32>
      %add3A_34 = arith.addi %add3A, %mul3A_33 : vector<16xi32>
      %get3A_35 = arith.constant 128 : index
      %get3A_36 = tpu.vector_load %arg7[%get3A_35] {strides = array<i32>} : memref<1024xi32, #tpu.memory_space<vmem>>, vector<16xi32>,
      %gt3A_37 = arith.constant 2 : i32
      %gt3A_38 = arith.cmpi sgt, %arg1, %gt3A_37 : i32
      %jit3A_39 = arith.constant 1 : i32
      %jit3A_40 = arith.constant 0 : i32
      %select_n3A_41 = arith.select %gt3A_38, %jit3A_39, %jit3A_40 : i32
      %mul3A_42 = vector.broadcast %select_n3A_41 : i32 to vector<16xi32>
      %mul3A_43 = arith.muli %get3A_36, %mul3A_42 : vector<16xi32>
      %add3A_44 = arith.addi %add3A_34, %mul3A_43 : vector<16xi32>
      %get3A_45 = arith.constant 192 : index
      %get3A_46 = tpu.vector_load %arg7[%get3A_45] {strides = array<i32>} : memref<1024xi32, #tpu.memory_space<vmem>>, vector<16xi32>,
      %gt3A_47 = arith.constant 3 : i32
      %gt3A_48 = arith.cmpi sgt, %arg1, %gt3A_47 : i32
      %jit3A_49 = arith.constant 1 : i32
      %jit3A_50 = arith.constant 0 : i32
      %select_n3A_51 = arith.select %gt3A_48, %jit3A_49, %jit3A_50 : i32
      %mul3A_52 = vector.broadcast %select_n3A_51 : i32 to vector<16xi32>
      %mul3A_53 = arith.muli %get3A_46, %mul3A_52 : vector<16xi32>
      %add3A_54 = arith.addi %add3A_44, %mul3A_53 : vector<16xi32>
      %get3A_55 = arith.constant 256 : index
      %get3A_56 = tpu.vector_load %arg7[%get3A_55] {strides = array<i32>} : memref<1024xi32, #tpu.memory_space<vmem>>, vector<16xi32>,
      %gt3A_57 = arith.constant 4 : i32
      %gt3A_58 = arith.cmpi sgt, %arg1, %gt3A_57 : i32
      %jit3A_59 = arith.constant 1 : i32
      %jit3A_60 = arith.constant 0 : i32
      %select_n3A_61 = arith.select %gt3A_58, %jit3A_59, %jit3A_60 : i32
      %mul3A_62 = vector.broadcast %select_n3A_61 : i32 to vector<16xi32>
      %mul3A_63 = arith.muli %get3A_56, %mul3A_62 : vector<16xi32>
      %add3A_64 = arith.addi %add3A_54, %mul3A_63 : vector<16xi32>
      %get3A_65 = arith.constant 320 : index
      %get3A_66 = tpu.vector_load %arg7[%get3A_65] {strides = array<i32>} : memref<1024xi32, #tpu.memory_space<vmem>>, vector<16xi32>,
      %gt3A_67 = arith.constant 5 : i32
      %gt3A_68 = arith.cmpi sgt, %arg1, %gt3A_67 : i32
      %jit3A_69 = arith.constant 1 : i32
      %jit3A_70 = arith.constant 0 : i32
      %select_n3A_71 = arith.select %gt3A_68, %jit3A_69, %jit3A_70 : i32
      %mul3A_72 = vector.broadcast %select_n3A_71 : i32 to vector<16xi32>
      %mul3A_73 = arith.muli %get3A_66, %mul3A_72 : vector<16xi32>
      %add3A_74 = arith.addi %add3A_64, %mul3A_73 : vector<16xi32>
      %get3A_75 = arith.constant 384 : index
      %get3A_76 = tpu.vector_load %arg7[%get3A_75] {strides = array<i32>} : memref<1024xi32, #tpu.memory_space<vmem>>, vector<16xi32>,
      %gt3A_77 = arith.constant 6 : i32
      %gt3A_78 = arith.cmpi sgt, %arg1, %gt3A_77 : i32
      %jit3A_79 = arith.constant 1 : i32
      %jit3A_80 = arith.constant 0 : i32
      %select_n3A_81 = arith.select %gt3A_78, %jit3A_79, %jit3A_80 : i32
      %mul3A_82 = vector.broadcast %select_n3A_81 : i32 to vector<16xi32>
      %mul3A_83 = arith.muli %get3A_76, %mul3A_82 : vector<16xi32>
      %add3A_84 = arith.addi %add3A_74, %mul3A_83 : vector<16xi32>
      %get3A_85 = arith.constant 448 : index
      %get3A_86 = tpu.vector_load %arg7[%get3A_85] {strides = array<i32>} : memref<1024xi32, #tpu.memory_space<vmem>>, vector<16xi32>,
      %gt3A_87 = arith.constant 7 : i32
      %gt3A_88 = arith.cmpi sgt, %arg1, %gt3A_87 : i32
      %jit3A_89 = arith.constant 1 : i32
      %jit3A_90 = arith.constant 0 : i32
      %select_n3A_91 = arith.select %gt3A_88, %jit3A_89, %jit3A_90 : i32
      %mul3A_92 = vector.broadcast %select_n3A_91 : i32 to vector<16xi32>
      %mul3A_93 = arith.muli %get3A_86, %mul3A_92 : vector<16xi32>
      %add3A_94 = arith.addi %add3A_84, %mul3A_93 : vector<16xi32>
      %get3A_95 = arith.constant 512 : index
      %get3A_96 = tpu.vector_load %arg7[%get3A_95] {strides = array<i32>} : memref<1024xi32, #tpu.memory_space<vmem>>, vector<16xi32>,
      %gt3A_97 = arith.constant 8 : i32
      %gt3A_98 = arith.cmpi sgt, %arg1, %gt3A_97 : i32
      %jit3A_99 = arith.constant 1 : i32
      %jit3A_100 = arith.constant 0 : i32
      %select_n3A_101 = arith.select %gt3A_98, %jit3A_99, %jit3A_100 : i32
      %mul3A_102 = vector.broadcast %select_n3A_101 : i32 to vector<16xi32>
      %mul3A_103 = arith.muli %get3A_96, %mul3A_102 : vector<16xi32>
      %add3A_104 = arith.addi %add3A_94, %mul3A_103 : vector<16xi32>
      %get3A_105 = arith.constant 576 : index
      %get3A_106 = tpu.vector_load %arg7[%get3A_105] {strides = array<i32>} : memref<1024xi32, #tpu.memory_space<vmem>>, vector<16xi32>,
      %gt3A_107 = arith.constant 9 : i32
      %gt3A_108 = arith.cmpi sgt, %arg1, %gt3A_107 : i32
      %jit3A_109 = arith.constant 1 : i32
      %jit3A_110 = arith.constant 0 : i32
      %select_n3A_111 = arith.select %gt3A_108, %jit3A_109, %jit3A_110 : i32
      %mul3A_112 = vector.broadcast %select_n3A_111 : i32 to vector<16xi32>
      %mul3A_113 = arith.muli %get3A_106, %mul3A_112 : vector<16xi32>
      %add3A_114 = arith.addi %add3A_104, %mul3A_113 : vector<16xi32>
      %get3A_115 = arith.constant 640 : index
      %get3A_116 = tpu.vector_load %arg7[%get3A_115] {strides = array<i32>} : memref<1024xi32, #tpu.memory_space<vmem>>, vector<16xi32>,
      %gt3A_117 = arith.constant 10 : i32
      %gt3A_118 = arith.cmpi sgt, %arg1, %gt3A_117 : i32
      %jit3A_119 = arith.constant 1 : i32
      %jit3A_120 = arith.constant 0 : i32
      %select_n3A_121 = arith.select %gt3A_118, %jit3A_119, %jit3A_120 : i32
      %mul3A_122 = vector.broadcast %select_n3A_121 : i32 to vector<16xi32>
      %mul3A_123 = arith.muli %get3A_116, %mul3A_122 : vector<16xi32>
      %add3A_124 = arith.addi %add3A_114, %mul3A_123 : vector<16xi32>
      %get3A_125 = arith.constant 704 : index
      %get3A_126 = tpu.vector_load %arg7[%get3A_125] {strides = array<i32>} : memref<1024xi32, #tpu.memory_space<vmem>>, vector<16xi32>,
      %gt3A_127 = arith.constant 11 : i32
      %gt3A_128 = arith.cmpi sgt, %arg1, %gt3A_127 : i32
      %jit3A_129 = arith.constant 1 : i32
      %jit3A_130 = arith.constant 0 : i32
      %select_n3A_131 = arith.select %gt3A_128, %jit3A_129, %jit3A_130 : i32
      %mul3A_132 = vector.broadcast %select_n3A_131 : i32 to vector<16xi32>
      %mul3A_133 = arith.muli %get3A_126, %mul3A_132 : vector<16xi32>
      %add3A_134 = arith.addi %add3A_124, %mul3A_133 : vector<16xi32>
      %get3A_135 = arith.constant 768 : index
      %get3A_136 = tpu.vector_load %arg7[%get3A_135] {strides = array<i32>} : memref<1024xi32, #tpu.memory_space<vmem>>, vector<16xi32>,
      %gt3A_137 = arith.constant 12 : i32
      %gt3A_138 = arith.cmpi sgt, %arg1, %gt3A_137 : i32
      %jit3A_139 = arith.constant 1 : i32
      %jit3A_140 = arith.constant 0 : i32
      %select_n3A_141 = arith.select %gt3A_138, %jit3A_139, %jit3A_140 : i32
      %mul3A_142 = vector.broadcast %select_n3A_141 : i32 to vector<16xi32>
      %mul3A_143 = arith.muli %get3A_136, %mul3A_142 : vector<16xi32>
      %add3A_144 = arith.addi %add3A_134, %mul3A_143 : vector<16xi32>
      %get3A_145 = arith.constant 832 : index
      %get3A_146 = tpu.vector_load %arg7[%get3A_145] {strides = array<i32>} : memref<1024xi32, #tpu.memory_space<vmem>>, vector<16xi32>,
      %gt3A_147 = arith.constant 13 : i32
      %gt3A_148 = arith.cmpi sgt, %arg1, %gt3A_147 : i32
      %jit3A_149 = arith.constant 1 : i32
      %jit3A_150 = arith.constant 0 : i32
      %select_n3A_151 = arith.select %gt3A_148, %jit3A_149, %jit3A_150 : i32
      %mul3A_152 = vector.broadcast %select_n3A_151 : i32 to vector<16xi32>
      %mul3A_153 = arith.muli %get3A_146, %mul3A_152 : vector<16xi32>
      %add3A_154 = arith.addi %add3A_144, %mul3A_153 : vector<16xi32>
      %get3A_155 = arith.constant 896 : index
      %get3A_156 = tpu.vector_load %arg7[%get3A_155] {strides = array<i32>} : memref<1024xi32, #tpu.memory_space<vmem>>, vector<16xi32>,
      %gt3A_157 = arith.constant 14 : i32
      %gt3A_158 = arith.cmpi sgt, %arg1, %gt3A_157 : i32
      %jit3A_159 = arith.constant 1 : i32
      %jit3A_160 = arith.constant 0 : i32
      %select_n3A_161 = arith.select %gt3A_158, %jit3A_159, %jit3A_160 : i32
      %mul3A_162 = vector.broadcast %select_n3A_161 : i32 to vector<16xi32>
      %mul3A_163 = arith.muli %get3A_156, %mul3A_162 : vector<16xi32>
      %add3A_164 = arith.addi %add3A_154, %mul3A_163 : vector<16xi32>
      %get3A_165 = arith.constant 960 : index
      %get3A_166 = tpu.vector_load %arg7[%get3A_165] {strides = array<i32>} : memref<1024xi32, #tpu.memory_space<vmem>>, vector<16xi32>,
      %gt3A_167 = arith.constant 15 : i32
      %gt3A_168 = arith.cmpi sgt, %arg1, %gt3A_167 : i32
      %jit3A_169 = arith.constant 1 : i32
      %jit3A_170 = arith.constant 0 : i32
      %select_n3A_171 = arith.select %gt3A_168, %jit3A_169, %jit3A_170 : i32
      %mul3A_172 = vector.broadcast %select_n3A_171 : i32 to vector<16xi32>
      %mul3A_173 = arith.muli %get3A_166, %mul3A_172 : vector<16xi32>
      %add3A_174 = arith.addi %add3A_164, %mul3A_173 : vector<16xi32>
      %swap3A_175 = arith.constant 0 : index
      %swap3A_176 = tpu.vector_load %arg8[%swap3A_175] {strides = array<i32>} : memref<64xi32, #tpu.memory_space<vmem>>, vector<16xi32>,
      tpu.vector_store %arg8[%swap3A_175], %add3A_174 {strides = array<i32>} : memref<64xi32, #tpu.memory_space<vmem>>, vector<16xi32>,
      %broadcast_in_dim3A_177 = arith.constant 0 : i32
      %broadcast_in_dim3A_178 = vector.broadcast %broadcast_in_dim3A_177 : i32 to vector<16xi32>
      %get3A_179 = arith.constant 16 : index
      %get3A_180 = tpu.vector_load %arg7[%get3A_179] {strides = array<i32>} : memref<1024xi32, #tpu.memory_space<vmem>>, vector<16xi32>,
      %gt3A_181 = arith.constant 0 : i32
      %gt3A_182 = arith.cmpi sgt, %arg1, %gt3A_181 : i32
      %jit3A_183 = arith.constant 1 : i32
      %jit3A_184 = arith.constant 0 : i32
      %select_n3A_185 = arith.select %gt3A_182, %jit3A_183, %jit3A_184 : i32
      %mul3A_186 = vector.broadcast %select_n3A_185 : i32 to vector<16xi32>
      %mul3A_187 = arith.muli %get3A_180, %mul3A_186 : vector<16xi32>
      %add3A_188 = arith.addi %broadcast_in_dim3A_178, %mul3A_187 : vector<16xi32>
      %get3A_189 = arith.constant 80 : index
      %get3A_190 = tpu.vector_load %arg7[%get3A_189] {strides = array<i32>} : memref<1024xi32, #tpu.memory_space<vmem>>, vector<16xi32>,
      %gt3A_191 = arith.constant 1 : i32
      %gt3A_192 = arith.cmpi sgt, %arg1, %gt3A_191 : i32
      %jit3A_193 = arith.constant 1 : i32
      %jit3A_194 = arith.constant 0 : i32
      %select_n3A_195 = arith.select %gt3A_192, %jit3A_193, %jit3A_194 : i32
      %mul3A_196 = vector.broadcast %select_n3A_195 : i32 to vector<16xi32>
      %mul3A_197 = arith.muli %get3A_190, %mul3A_196 : vector<16xi32>
      %add3A_198 = arith.addi %add3A_188, %mul3A_197 : vector<16xi32>
      %get3A_199 = arith.constant 144 : index
      %get3A_200 = tpu.vector_load %arg7[%get3A_199] {strides = array<i32>} : memref<1024xi32, #tpu.memory_space<vmem>>, vector<16xi32>,
      %gt3A_201 = arith.constant 2 : i32
      %gt3A_202 = arith.cmpi sgt, %arg1, %gt3A_201 : i32
      %jit3A_203 = arith.constant 1 : i32
      %jit3A_204 = arith.constant 0 : i32
      %select_n3A_205 = arith.select %gt3A_202, %jit3A_203, %jit3A_204 : i32
      %mul3A_206 = vector.broadcast %select_n3A_205 : i32 to vector<16xi32>
      %mul3A_207 = arith.muli %get3A_200, %mul3A_206 : vector<16xi32>
      %add3A_208 = arith.addi %add3A_198, %mul3A_207 : vector<16xi32>
      %get3A_209 = arith.constant 208 : index
      %get3A_210 = tpu.vector_load %arg7[%get3A_209] {strides = array<i32>} : memref<1024xi32, #tpu.memory_space<vmem>>, vector<16xi32>,
      %gt3A_211 = arith.constant 3 : i32
      %gt3A_212 = arith.cmpi sgt, %arg1, %gt3A_211 : i32
      %jit3A_213 = arith.constant 1 : i32
      %jit3A_214 = arith.constant 0 : i32
      %select_n3A_215 = arith.select %gt3A_212, %jit3A_213, %jit3A_214 : i32
      %mul3A_216 = vector.broadcast %select_n3A_215 : i32 to vector<16xi32>
      %mul3A_217 = arith.muli %get3A_210, %mul3A_216 : vector<16xi32>
      %add3A_218 = arith.addi %add3A_208, %mul3A_217 : vector<16xi32>
      %get3A_219 = arith.constant 272 : index
      %get3A_220 = tpu.vector_load %arg7[%get3A_219] {strides = array<i32>} : memref<1024xi32, #tpu.memory_space<vmem>>, vector<16xi32>,
      %gt3A_221 = arith.constant 4 : i32
      %gt3A_222 = arith.cmpi sgt, %arg1, %gt3A_221 : i32
      %jit3A_223 = arith.constant 1 : i32
      %jit3A_224 = arith.constant 0 : i32
      %select_n3A_225 = arith.select %gt3A_222, %jit3A_223, %jit3A_224 : i32
      %mul3A_226 = vector.broadcast %select_n3A_225 : i32 to vector<16xi32>
      %mul3A_227 = arith.muli %get3A_220, %mul3A_226 : vector<16xi32>
      %add3A_228 = arith.addi %add3A_218, %mul3A_227 : vector<16xi32>
      %get3A_229 = arith.constant 336 : index
      %get3A_230 = tpu.vector_load %arg7[%get3A_229] {strides = array<i32>} : memref<1024xi32, #tpu.memory_space<vmem>>, vector<16xi32>,
      %gt3A_231 = arith.constant 5 : i32
      %gt3A_232 = arith.cmpi sgt, %arg1, %gt3A_231 : i32
      %jit3A_233 = arith.constant 1 : i32
      %jit3A_234 = arith.constant 0 : i32
      %select_n3A_235 = arith.select %gt3A_232, %jit3A_233, %jit3A_234 : i32
      %mul3A_236 = vector.broadcast %select_n3A_235 : i32 to vector<16xi32>
      %mul3A_237 = arith.muli %get3A_230, %mul3A_236 : vector<16xi32>
      %add3A_238 = arith.addi %add3A_228, %mul3A_237 : vector<16xi32>
      %get3A_239 = arith.constant 400 : index
      %get3A_240 = tpu.vector_load %arg7[%get3A_239] {strides = array<i32>} : memref<1024xi32, #tpu.memory_space<vmem>>, vector<16xi32>,
      %gt3A_241 = arith.constant 6 : i32
      %gt3A_242 = arith.cmpi sgt, %arg1, %gt3A_241 : i32
      %jit3A_243 = arith.constant 1 : i32
      %jit3A_244 = arith.constant 0 : i32
      %select_n3A_245 = arith.select %gt3A_242, %jit3A_243, %jit3A_244 : i32
      %mul3A_246 = vector.broadcast %select_n3A_245 : i32 to vector<16xi32>
      %mul3A_247 = arith.muli %get3A_240, %mul3A_246 : vector<16xi32>
      %add3A_248 = arith.addi %add3A_238, %mul3A_247 : vector<16xi32>
      %get3A_249 = arith.constant 464 : index
      %get3A_250 = tpu.vector_load %arg7[%get3A_249] {strides = array<i32>} : memref<1024xi32, #tpu.memory_space<vmem>>, vector<16xi32>,
      %gt3A_251 = arith.constant 7 : i32
      %gt3A_252 = arith.cmpi sgt, %arg1, %gt3A_251 : i32
      %jit3A_253 = arith.constant 1 : i32
      %jit3A_254 = arith.constant 0 : i32
      %select_n3A_255 = arith.select %gt3A_252, %jit3A_253, %jit3A_254 : i32
      %mul3A_256 = vector.broadcast %select_n3A_255 : i32 to vector<16xi32>
      %mul3A_257 = arith.muli %get3A_250, %mul3A_256 : vector<16xi32>
      %add3A_258 = arith.addi %add3A_248, %mul3A_257 : vector<16xi32>
      %get3A_259 = arith.constant 528 : index
      %get3A_260 = tpu.vector_load %arg7[%get3A_259] {strides = array<i32>} : memref<1024xi32, #tpu.memory_space<vmem>>, vector<16xi32>,
      %gt3A_261 = arith.constant 8 : i32
      %gt3A_262 = arith.cmpi sgt, %arg1, %gt3A_261 : i32
      %jit3A_263 = arith.constant 1 : i32
      %jit3A_264 = arith.constant 0 : i32
      %select_n3A_265 = arith.select %gt3A_262, %jit3A_263, %jit3A_264 : i32
      %mul3A_266 = vector.broadcast %select_n3A_265 : i32 to vector<16xi32>
      %mul3A_267 = arith.muli %get3A_260, %mul3A_266 : vector<16xi32>
      %add3A_268 = arith.addi %add3A_258, %mul3A_267 : vector<16xi32>
      %get3A_269 = arith.constant 592 : index
      %get3A_270 = tpu.vector_load %arg7[%get3A_269] {strides = array<i32>} : memref<1024xi32, #tpu.memory_space<vmem>>, vector<16xi32>,
      %gt3A_271 = arith.constant 9 : i32
      %gt3A_272 = arith.cmpi sgt, %arg1, %gt3A_271 : i32
      %jit3A_273 = arith.constant 1 : i32
      %jit3A_274 = arith.constant 0 : i32
      %select_n3A_275 = arith.select %gt3A_272, %jit3A_273, %jit3A_274 : i32
      %mul3A_276 = vector.broadcast %select_n3A_275 : i32 to vector<16xi32>
      %mul3A_277 = arith.muli %get3A_270, %mul3A_276 : vector<16xi32>
      %add3A_278 = arith.addi %add3A_268, %mul3A_277 : vector<16xi32>
      %get3A_279 = arith.constant 656 : index
      %get3A_280 = tpu.vector_load %arg7[%get3A_279] {strides = array<i32>} : memref<1024xi32, #tpu.memory_space<vmem>>, vector<16xi32>,
      %gt3A_281 = arith.constant 10 : i32
      %gt3A_282 = arith.cmpi sgt, %arg1, %gt3A_281 : i32
      %jit3A_283 = arith.constant 1 : i32
      %jit3A_284 = arith.constant 0 : i32
      %select_n3A_285 = arith.select %gt3A_282, %jit3A_283, %jit3A_284 : i32
      %mul3A_286 = vector.broadcast %select_n3A_285 : i32 to vector<16xi32>
      %mul3A_287 = arith.muli %get3A_280, %mul3A_286 : vector<16xi32>
      %add3A_288 = arith.addi %add3A_278, %mul3A_287 : vector<16xi32>
      %get3A_289 = arith.constant 720 : index
      %get3A_290 = tpu.vector_load %arg7[%get3A_289] {strides = array<i32>} : memref<1024xi32, #tpu.memory_space<vmem>>, vector<16xi32>,
      %gt3A_291 = arith.constant 11 : i32
      %gt3A_292 = arith.cmpi sgt, %arg1, %gt3A_291 : i32
      %jit3A_293 = arith.constant 1 : i32
      %jit3A_294 = arith.constant 0 : i32
      %select_n3A_295 = arith.select %gt3A_292, %jit3A_293, %jit3A_294 : i32
      %mul3A_296 = vector.broadcast %select_n3A_295 : i32 to vector<16xi32>
      %mul3A_297 = arith.muli %get3A_290, %mul3A_296 : vector<16xi32>
      %add3A_298 = arith.addi %add3A_288, %mul3A_297 : vector<16xi32>
      %get3A_299 = arith.constant 784 : index
      %get3A_300 = tpu.vector_load %arg7[%get3A_299] {strides = array<i32>} : memref<1024xi32, #tpu.memory_space<vmem>>, vector<16xi32>,
      %gt3A_301 = arith.constant 12 : i32
      %gt3A_302 = arith.cmpi sgt, %arg1, %gt3A_301 : i32
      %jit3A_303 = arith.constant 1 : i32
      %jit3A_304 = arith.constant 0 : i32
      %select_n3A_305 = arith.select %gt3A_302, %jit3A_303, %jit3A_304 : i32
      %mul3A_306 = vector.broadcast %select_n3A_305 : i32 to vector<16xi32>
      %mul3A_307 = arith.muli %get3A_300, %mul3A_306 : vector<16xi32>
      %add3A_308 = arith.addi %add3A_298, %mul3A_307 : vector<16xi32>
      %get3A_309 = arith.constant 848 : index
      %get3A_310 = tpu.vector_load %arg7[%get3A_309] {strides = array<i32>} : memref<1024xi32, #tpu.memory_space<vmem>>, vector<16xi32>,
      %gt3A_311 = arith.constant 13 : i32
      %gt3A_312 = arith.cmpi sgt, %arg1, %gt3A_311 : i32
      %jit3A_313 = arith.constant 1 : i32
      %jit3A_314 = arith.constant 0 : i32
      %select_n3A_315 = arith.select %gt3A_312, %jit3A_313, %jit3A_314 : i32
      %mul3A_316 = vector.broadcast %select_n3A_315 : i32 to vector<16xi32>
      %mul3A_317 = arith.muli %get3A_310, %mul3A_316 : vector<16xi32>
      %add3A_318 = arith.addi %add3A_308, %mul3A_317 : vector<16xi32>
      %get3A_319 = arith.constant 912 : index
      %get3A_320 = tpu.vector_load %arg7[%get3A_319] {strides = array<i32>} : memref<1024xi32, #tpu.memory_space<vmem>>, vector<16xi32>,
      %gt3A_321 = arith.constant 14 : i32
      %gt3A_322 = arith.cmpi sgt, %arg1, %gt3A_321 : i32
      %jit3A_323 = arith.constant 1 : i32
      %jit3A_324 = arith.constant 0 : i32
      %select_n3A_325 = arith.select %gt3A_322, %jit3A_323, %jit3A_324 : i32
      %mul3A_326 = vector.broadcast %select_n3A_325 : i32 to vector<16xi32>
      %mul3A_327 = arith.muli %get3A_320, %mul3A_326 : vector<16xi32>
      %add3A_328 = arith.addi %add3A_318, %mul3A_327 : vector<16xi32>
      %get3A_329 = arith.constant 976 : index
      %get3A_330 = tpu.vector_load %arg7[%get3A_329] {strides = array<i32>} : memref<1024xi32, #tpu.memory_space<vmem>>, vector<16xi32>,
      %gt3A_331 = arith.constant 15 : i32
      %gt3A_332 = arith.cmpi sgt, %arg1, %gt3A_331 : i32
      %jit3A_333 = arith.constant 1 : i32
      %jit3A_334 = arith.constant 0 : i32
      %select_n3A_335 = arith.select %gt3A_332, %jit3A_333, %jit3A_334 : i32
      %mul3A_336 = vector.broadcast %select_n3A_335 : i32 to vector<16xi32>
      %mul3A_337 = arith.muli %get3A_330, %mul3A_336 : vector<16xi32>
      %add3A_338 = arith.addi %add3A_328, %mul3A_337 : vector<16xi32>
      %swap3A_339 = arith.constant 16 : index
      %swap3A_340 = tpu.vector_load %arg8[%swap3A_339] {strides = array<i32>} : memref<64xi32, #tpu.memory_space<vmem>>, vector<16xi32>,
      tpu.vector_store %arg8[%swap3A_339], %add3A_338 {strides = array<i32>} : memref<64xi32, #tpu.memory_space<vmem>>, vector<16xi32>,
      %broadcast_in_dim3A_341 = arith.constant 0 : i32
      %broadcast_in_dim3A_342 = vector.broadcast %broadcast_in_dim3A_341 : i32 to vector<16xi32>
      %get3A_343 = arith.constant 32 : index
      %get3A_344 = tpu.vector_load %arg7[%get3A_343] {strides = array<i32>} : memref<1024xi32, #tpu.memory_space<vmem>>, vector<16xi32>,
      %gt3A_345 = arith.constant 0 : i32
      %gt3A_346 = arith.cmpi sgt, %arg1, %gt3A_345 : i32
      %jit3A_347 = arith.constant 1 : i32
      %jit3A_348 = arith.constant 0 : i32
      %select_n3A_349 = arith.select %gt3A_346, %jit3A_347, %jit3A_348 : i32
      %mul3A_350 = vector.broadcast %select_n3A_349 : i32 to vector<16xi32>
      %mul3A_351 = arith.muli %get3A_344, %mul3A_350 : vector<16xi32>
      %add3A_352 = arith.addi %broadcast_in_dim3A_342, %mul3A_351 : vector<16xi32>
      %get3A_353 = arith.constant 96 : index
      %get3A_354 = tpu.vector_load %arg7[%get3A_353] {strides = array<i32>} : memref<1024xi32, #tpu.memory_space<vmem>>, vector<16xi32>,
      %gt3A_355 = arith.constant 1 : i32
      %gt3A_356 = arith.cmpi sgt, %arg1, %gt3A_355 : i32
      %jit3A_357 = arith.constant 1 : i32
      %jit3A_358 = arith.constant 0 : i32
      %select_n3A_359 = arith.select %gt3A_356, %jit3A_357, %jit3A_358 : i32
      %mul3A_360 = vector.broadcast %select_n3A_359 : i32 to vector<16xi32>
      %mul3A_361 = arith.muli %get3A_354, %mul3A_360 : vector<16xi32>
      %add3A_362 = arith.addi %add3A_352, %mul3A_361 : vector<16xi32>
      %get3A_363 = arith.constant 160 : index
      %get3A_364 = tpu.vector_load %arg7[%get3A_363] {strides = array<i32>} : memref<1024xi32, #tpu.memory_space<vmem>>, vector<16xi32>,
      %gt3A_365 = arith.constant 2 : i32
      %gt3A_366 = arith.cmpi sgt, %arg1, %gt3A_365 : i32
      %jit3A_367 = arith.constant 1 : i32
      %jit3A_368 = arith.constant 0 : i32
      %select_n3A_369 = arith.select %gt3A_366, %jit3A_367, %jit3A_368 : i32
      %mul3A_370 = vector.broadcast %select_n3A_369 : i32 to vector<16xi32>
      %mul3A_371 = arith.muli %get3A_364, %mul3A_370 : vector<16xi32>
      %add3A_372 = arith.addi %add3A_362, %mul3A_371 : vector<16xi32>
      %get3A_373 = arith.constant 224 : index
      %get3A_374 = tpu.vector_load %arg7[%get3A_373] {strides = array<i32>} : memref<1024xi32, #tpu.memory_space<vmem>>, vector<16xi32>,
      %gt3A_375 = arith.constant 3 : i32
      %gt3A_376 = arith.cmpi sgt, %arg1, %gt3A_375 : i32
      %jit3A_377 = arith.constant 1 : i32
      %jit3A_378 = arith.constant 0 : i32
      %select_n3A_379 = arith.select %gt3A_376, %jit3A_377, %jit3A_378 : i32
      %mul3A_380 = vector.broadcast %select_n3A_379 : i32 to vector<16xi32>
      %mul3A_381 = arith.muli %get3A_374, %mul3A_380 : vector<16xi32>
      %add3A_382 = arith.addi %add3A_372, %mul3A_381 : vector<16xi32>
      %get3A_383 = arith.constant 288 : index
      %get3A_384 = tpu.vector_load %arg7[%get3A_383] {strides = array<i32>} : memref<1024xi32, #tpu.memory_space<vmem>>, vector<16xi32>,
      %gt3A_385 = arith.constant 4 : i32
      %gt3A_386 = arith.cmpi sgt, %arg1, %gt3A_385 : i32
      %jit3A_387 = arith.constant 1 : i32
      %jit3A_388 = arith.constant 0 : i32
      %select_n3A_389 = arith.select %gt3A_386, %jit3A_387, %jit3A_388 : i32
      %mul3A_390 = vector.broadcast %select_n3A_389 : i32 to vector<16xi32>
      %mul3A_391 = arith.muli %get3A_384, %mul3A_390 : vector<16xi32>
      %add3A_392 = arith.addi %add3A_382, %mul3A_391 : vector<16xi32>
      %get3A_393 = arith.constant 352 : index
      %get3A_394 = tpu.vector_load %arg7[%get3A_393] {strides = array<i32>} : memref<1024xi32, #tpu.memory_space<vmem>>, vector<16xi32>,
      %gt3A_395 = arith.constant 5 : i32
      %gt3A_396 = arith.cmpi sgt, %arg1, %gt3A_395 : i32
      %jit3A_397 = arith.constant 1 : i32
      %jit3A_398 = arith.constant 0 : i32
      %select_n3A_399 = arith.select %gt3A_396, %jit3A_397, %jit3A_398 : i32
      %mul3A_400 = vector.broadcast %select_n3A_399 : i32 to vector<16xi32>
      %mul3A_401 = arith.muli %get3A_394, %mul3A_400 : vector<16xi32>
      %add3A_402 = arith.addi %add3A_392, %mul3A_401 : vector<16xi32>
      %get3A_403 = arith.constant 416 : index
      %get3A_404 = tpu.vector_load %arg7[%get3A_403] {strides = array<i32>} : memref<1024xi32, #tpu.memory_space<vmem>>, vector<16xi32>,
      %gt3A_405 = arith.constant 6 : i32
      %gt3A_406 = arith.cmpi sgt, %arg1, %gt3A_405 : i32
      %jit3A_407 = arith.constant 1 : i32
      %jit3A_408 = arith.constant 0 : i32
      %select_n3A_409 = arith.select %gt3A_406, %jit3A_407, %jit3A_408 : i32
      %mul3A_410 = vector.broadcast %select_n3A_409 : i32 to vector<16xi32>
      %mul3A_411 = arith.muli %get3A_404, %mul3A_410 : vector<16xi32>
      %add3A_412 = arith.addi %add3A_402, %mul3A_411 : vector<16xi32>
      %get3A_413 = arith.constant 480 : index
      %get3A_414 = tpu.vector_load %arg7[%get3A_413] {strides = array<i32>} : memref<1024xi32, #tpu.memory_space<vmem>>, vector<16xi32>,
      %gt3A_415 = arith.constant 7 : i32
      %gt3A_416 = arith.cmpi sgt, %arg1, %gt3A_415 : i32
      %jit3A_417 = arith.constant 1 : i32
      %jit3A_418 = arith.constant 0 : i32
      %select_n3A_419 = arith.select %gt3A_416, %jit3A_417, %jit3A_418 : i32
      %mul3A_420 = vector.broadcast %select_n3A_419 : i32 to vector<16xi32>
      %mul3A_421 = arith.muli %get3A_414, %mul3A_420 : vector<16xi32>
      %add3A_422 = arith.addi %add3A_412, %mul3A_421 : vector<16xi32>
      %get3A_423 = arith.constant 544 : index
      %get3A_424 = tpu.vector_load %arg7[%get3A_423] {strides = array<i32>} : memref<1024xi32, #tpu.memory_space<vmem>>, vector<16xi32>,
      %gt3A_425 = arith.constant 8 : i32
      %gt3A_426 = arith.cmpi sgt, %arg1, %gt3A_425 : i32
      %jit3A_427 = arith.constant 1 : i32
      %jit3A_428 = arith.constant 0 : i32
      %select_n3A_429 = arith.select %gt3A_426, %jit3A_427, %jit3A_428 : i32
      %mul3A_430 = vector.broadcast %select_n3A_429 : i32 to vector<16xi32>
      %mul3A_431 = arith.muli %get3A_424, %mul3A_430 : vector<16xi32>
      %add3A_432 = arith.addi %add3A_422, %mul3A_431 : vector<16xi32>
      %get3A_433 = arith.constant 608 : index
      %get3A_434 = tpu.vector_load %arg7[%get3A_433] {strides = array<i32>} : memref<1024xi32, #tpu.memory_space<vmem>>, vector<16xi32>,
      %gt3A_435 = arith.constant 9 : i32
      %gt3A_436 = arith.cmpi sgt, %arg1, %gt3A_435 : i32
      %jit3A_437 = arith.constant 1 : i32
      %jit3A_438 = arith.constant 0 : i32
      %select_n3A_439 = arith.select %gt3A_436, %jit3A_437, %jit3A_438 : i32
      %mul3A_440 = vector.broadcast %select_n3A_439 : i32 to vector<16xi32>
      %mul3A_441 = arith.muli %get3A_434, %mul3A_440 : vector<16xi32>
      %add3A_442 = arith.addi %add3A_432, %mul3A_441 : vector<16xi32>
      %get3A_443 = arith.constant 672 : index
      %get3A_444 = tpu.vector_load %arg7[%get3A_443] {strides = array<i32>} : memref<1024xi32, #tpu.memory_space<vmem>>, vector<16xi32>,
      %gt3A_445 = arith.constant 10 : i32
      %gt3A_446 = arith.cmpi sgt, %arg1, %gt3A_445 : i32
      %jit3A_447 = arith.constant 1 : i32
      %jit3A_448 = arith.constant 0 : i32
      %select_n3A_449 = arith.select %gt3A_446, %jit3A_447, %jit3A_448 : i32
      %mul3A_450 = vector.broadcast %select_n3A_449 : i32 to vector<16xi32>
      %mul3A_451 = arith.muli %get3A_444, %mul3A_450 : vector<16xi32>
      %add3A_452 = arith.addi %add3A_442, %mul3A_451 : vector<16xi32>
      %get3A_453 = arith.constant 736 : index
      %get3A_454 = tpu.vector_load %arg7[%get3A_453] {strides = array<i32>} : memref<1024xi32, #tpu.memory_space<vmem>>, vector<16xi32>,
      %gt3A_455 = arith.constant 11 : i32
      %gt3A_456 = arith.cmpi sgt, %arg1, %gt3A_455 : i32
      %jit3A_457 = arith.constant 1 : i32
      %jit3A_458 = arith.constant 0 : i32
      %select_n3A_459 = arith.select %gt3A_456, %jit3A_457, %jit3A_458 : i32
      %mul3A_460 = vector.broadcast %select_n3A_459 : i32 to vector<16xi32>
      %mul3A_461 = arith.muli %get3A_454, %mul3A_460 : vector<16xi32>
      %add3A_462 = arith.addi %add3A_452, %mul3A_461 : vector<16xi32>
      %get3A_463 = arith.constant 800 : index
      %get3A_464 = tpu.vector_load %arg7[%get3A_463] {strides = array<i32>} : memref<1024xi32, #tpu.memory_space<vmem>>, vector<16xi32>,
      %gt3A_465 = arith.constant 12 : i32
      %gt3A_466 = arith.cmpi sgt, %arg1, %gt3A_465 : i32
      %jit3A_467 = arith.constant 1 : i32
      %jit3A_468 = arith.constant 0 : i32
      %select_n3A_469 = arith.select %gt3A_466, %jit3A_467, %jit3A_468 : i32
      %mul3A_470 = vector.broadcast %select_n3A_469 : i32 to vector<16xi32>
      %mul3A_471 = arith.muli %get3A_464, %mul3A_470 : vector<16xi32>
      %add3A_472 = arith.addi %add3A_462, %mul3A_471 : vector<16xi32>
      %get3A_473 = arith.constant 864 : index
      %get3A_474 = tpu.vector_load %arg7[%get3A_473] {strides = array<i32>} : memref<1024xi32, #tpu.memory_space<vmem>>, vector<16xi32>,
      %gt3A_475 = arith.constant 13 : i32
      %gt3A_476 = arith.cmpi sgt, %arg1, %gt3A_475 : i32
      %jit3A_477 = arith.constant 1 : i32
      %jit3A_478 = arith.constant 0 : i32
      %select_n3A_479 = arith.select %gt3A_476, %jit3A_477, %jit3A_478 : i32
      %mul3A_480 = vector.broadcast %select_n3A_479 : i32 to vector<16xi32>
      %mul3A_481 = arith.muli %get3A_474, %mul3A_480 : vector<16xi32>
      %add3A_482 = arith.addi %add3A_472, %mul3A_481 : vector<16xi32>
      %get3A_483 = arith.constant 928 : index
      %get3A_484 = tpu.vector_load %arg7[%get3A_483] {strides = array<i32>} : memref<1024xi32, #tpu.memory_space<vmem>>, vector<16xi32>,
      %gt3A_485 = arith.constant 14 : i32
      %gt3A_486 = arith.cmpi sgt, %arg1, %gt3A_485 : i32
      %jit3A_487 = arith.constant 1 : i32
      %jit3A_488 = arith.constant 0 : i32
      %select_n3A_489 = arith.select %gt3A_486, %jit3A_487, %jit3A_488 : i32
      %mul3A_490 = vector.broadcast %select_n3A_489 : i32 to vector<16xi32>
      %mul3A_491 = arith.muli %get3A_484, %mul3A_490 : vector<16xi32>
      %add3A_492 = arith.addi %add3A_482, %mul3A_491 : vector<16xi32>
      %get3A_493 = arith.constant 992 : index
      %get3A_494 = tpu.vector_load %arg7[%get3A_493] {strides = array<i32>} : memref<1024xi32, #tpu.memory_space<vmem>>, vector<16xi32>,
      %gt3A_495 = arith.constant 15 : i32
      %gt3A_496 = arith.cmpi sgt, %arg1, %gt3A_495 : i32
      %jit3A_497 = arith.constant 1 : i32
      %jit3A_498 = arith.constant 0 : i32
      %select_n3A_499 = arith.select %gt3A_496, %jit3A_497, %jit3A_498 : i32
      %mul3A_500 = vector.broadcast %select_n3A_499 : i32 to vector<16xi32>
      %mul3A_501 = arith.muli %get3A_494, %mul3A_500 : vector<16xi32>
      %add3A_502 = arith.addi %add3A_492, %mul3A_501 : vector<16xi32>
      %swap3A_503 = arith.constant 32 : index
      %swap3A_504 = tpu.vector_load %arg8[%swap3A_503] {strides = array<i32>} : memref<64xi32, #tpu.memory_space<vmem>>, vector<16xi32>,
      tpu.vector_store %arg8[%swap3A_503], %add3A_502 {strides = array<i32>} : memref<64xi32, #tpu.memory_space<vmem>>, vector<16xi32>,
      %broadcast_in_dim3A_505 = arith.constant 0 : i32
      %broadcast_in_dim3A_506 = vector.broadcast %broadcast_in_dim3A_505 : i32 to vector<16xi32>
      %get3A_507 = arith.constant 48 : index
      %get3A_508 = tpu.vector_load %arg7[%get3A_507] {strides = array<i32>} : memref<1024xi32, #tpu.memory_space<vmem>>, vector<16xi32>,
      %gt3A_509 = arith.constant 0 : i32
      %gt3A_510 = arith.cmpi sgt, %arg1, %gt3A_509 : i32
      %jit3A_511 = arith.constant 1 : i32
      %jit3A_512 = arith.constant 0 : i32
      %select_n3A_513 = arith.select %gt3A_510, %jit3A_511, %jit3A_512 : i32
      %mul3A_514 = vector.broadcast %select_n3A_513 : i32 to vector<16xi32>
      %mul3A_515 = arith.muli %get3A_508, %mul3A_514 : vector<16xi32>
      %add3A_516 = arith.addi %broadcast_in_dim3A_506, %mul3A_515 : vector<16xi32>
      %get3A_517 = arith.constant 112 : index
      %get3A_518 = tpu.vector_load %arg7[%get3A_517] {strides = array<i32>} : memref<1024xi32, #tpu.memory_space<vmem>>, vector<16xi32>,
      %gt3A_519 = arith.constant 1 : i32
      %gt3A_520 = arith.cmpi sgt, %arg1, %gt3A_519 : i32
      %jit3A_521 = arith.constant 1 : i32
      %jit3A_522 = arith.constant 0 : i32
      %select_n3A_523 = arith.select %gt3A_520, %jit3A_521, %jit3A_522 : i32
      %mul3A_524 = vector.broadcast %select_n3A_523 : i32 to vector<16xi32>
      %mul3A_525 = arith.muli %get3A_518, %mul3A_524 : vector<16xi32>
      %add3A_526 = arith.addi %add3A_516, %mul3A_525 : vector<16xi32>
      %get3A_527 = arith.constant 176 : index
      %get3A_528 = tpu.vector_load %arg7[%get3A_527] {strides = array<i32>} : memref<1024xi32, #tpu.memory_space<vmem>>, vector<16xi32>,
      %gt3A_529 = arith.constant 2 : i32
      %gt3A_530 = arith.cmpi sgt, %arg1, %gt3A_529 : i32
      %jit3A_531 = arith.constant 1 : i32
      %jit3A_532 = arith.constant 0 : i32
      %select_n3A_533 = arith.select %gt3A_530, %jit3A_531, %jit3A_532 : i32
      %mul3A_534 = vector.broadcast %select_n3A_533 : i32 to vector<16xi32>
      %mul3A_535 = arith.muli %get3A_528, %mul3A_534 : vector<16xi32>
      %add3A_536 = arith.addi %add3A_526, %mul3A_535 : vector<16xi32>
      %get3A_537 = arith.constant 240 : index
      %get3A_538 = tpu.vector_load %arg7[%get3A_537] {strides = array<i32>} : memref<1024xi32, #tpu.memory_space<vmem>>, vector<16xi32>,
      %gt3A_539 = arith.constant 3 : i32
      %gt3A_540 = arith.cmpi sgt, %arg1, %gt3A_539 : i32
      %jit3A_541 = arith.constant 1 : i32
      %jit3A_542 = arith.constant 0 : i32
      %select_n3A_543 = arith.select %gt3A_540, %jit3A_541, %jit3A_542 : i32
      %mul3A_544 = vector.broadcast %select_n3A_543 : i32 to vector<16xi32>
      %mul3A_545 = arith.muli %get3A_538, %mul3A_544 : vector<16xi32>
      %add3A_546 = arith.addi %add3A_536, %mul3A_545 : vector<16xi32>
      %get3A_547 = arith.constant 304 : index
      %get3A_548 = tpu.vector_load %arg7[%get3A_547] {strides = array<i32>} : memref<1024xi32, #tpu.memory_space<vmem>>, vector<16xi32>,
      %gt3A_549 = arith.constant 4 : i32
      %gt3A_550 = arith.cmpi sgt, %arg1, %gt3A_549 : i32
      %jit3A_551 = arith.constant 1 : i32
      %jit3A_552 = arith.constant 0 : i32
      %select_n3A_553 = arith.select %gt3A_550, %jit3A_551, %jit3A_552 : i32
      %mul3A_554 = vector.broadcast %select_n3A_553 : i32 to vector<16xi32>
      %mul3A_555 = arith.muli %get3A_548, %mul3A_554 : vector<16xi32>
      %add3A_556 = arith.addi %add3A_546, %mul3A_555 : vector<16xi32>
      %get3A_557 = arith.constant 368 : index
      %get3A_558 = tpu.vector_load %arg7[%get3A_557] {strides = array<i32>} : memref<1024xi32, #tpu.memory_space<vmem>>, vector<16xi32>,
      %gt3A_559 = arith.constant 5 : i32
      %gt3A_560 = arith.cmpi sgt, %arg1, %gt3A_559 : i32
      %jit3A_561 = arith.constant 1 : i32
      %jit3A_562 = arith.constant 0 : i32
      %select_n3A_563 = arith.select %gt3A_560, %jit3A_561, %jit3A_562 : i32
      %mul3A_564 = vector.broadcast %select_n3A_563 : i32 to vector<16xi32>
      %mul3A_565 = arith.muli %get3A_558, %mul3A_564 : vector<16xi32>
      %add3A_566 = arith.addi %add3A_556, %mul3A_565 : vector<16xi32>
      %get3A_567 = arith.constant 432 : index
      %get3A_568 = tpu.vector_load %arg7[%get3A_567] {strides = array<i32>} : memref<1024xi32, #tpu.memory_space<vmem>>, vector<16xi32>,
      %gt3A_569 = arith.constant 6 : i32
      %gt3A_570 = arith.cmpi sgt, %arg1, %gt3A_569 : i32
      %jit3A_571 = arith.constant 1 : i32
      %jit3A_572 = arith.constant 0 : i32
      %select_n3A_573 = arith.select %gt3A_570, %jit3A_571, %jit3A_572 : i32
      %mul3A_574 = vector.broadcast %select_n3A_573 : i32 to vector<16xi32>
      %mul3A_575 = arith.muli %get3A_568, %mul3A_574 : vector<16xi32>
      %add3A_576 = arith.addi %add3A_566, %mul3A_575 : vector<16xi32>
      %get3A_577 = arith.constant 496 : index
      %get3A_578 = tpu.vector_load %arg7[%get3A_577] {strides = array<i32>} : memref<1024xi32, #tpu.memory_space<vmem>>, vector<16xi32>,
      %gt3A_579 = arith.constant 7 : i32
      %gt3A_580 = arith.cmpi sgt, %arg1, %gt3A_579 : i32
      %jit3A_581 = arith.constant 1 : i32
      %jit3A_582 = arith.constant 0 : i32
      %select_n3A_583 = arith.select %gt3A_580, %jit3A_581, %jit3A_582 : i32
      %mul3A_584 = vector.broadcast %select_n3A_583 : i32 to vector<16xi32>
      %mul3A_585 = arith.muli %get3A_578, %mul3A_584 : vector<16xi32>
      %add3A_586 = arith.addi %add3A_576, %mul3A_585 : vector<16xi32>
      %get3A_587 = arith.constant 560 : index
      %get3A_588 = tpu.vector_load %arg7[%get3A_587] {strides = array<i32>} : memref<1024xi32, #tpu.memory_space<vmem>>, vector<16xi32>,
      %gt3A_589 = arith.constant 8 : i32
      %gt3A_590 = arith.cmpi sgt, %arg1, %gt3A_589 : i32
      %jit3A_591 = arith.constant 1 : i32
      %jit3A_592 = arith.constant 0 : i32
      %select_n3A_593 = arith.select %gt3A_590, %jit3A_591, %jit3A_592 : i32
      %mul3A_594 = vector.broadcast %select_n3A_593 : i32 to vector<16xi32>
      %mul3A_595 = arith.muli %get3A_588, %mul3A_594 : vector<16xi32>
      %add3A_596 = arith.addi %add3A_586, %mul3A_595 : vector<16xi32>
      %get3A_597 = arith.constant 624 : index
      %get3A_598 = tpu.vector_load %arg7[%get3A_597] {strides = array<i32>} : memref<1024xi32, #tpu.memory_space<vmem>>, vector<16xi32>,
      %gt3A_599 = arith.constant 9 : i32
      %gt3A_600 = arith.cmpi sgt, %arg1, %gt3A_599 : i32
      %jit3A_601 = arith.constant 1 : i32
      %jit3A_602 = arith.constant 0 : i32
      %select_n3A_603 = arith.select %gt3A_600, %jit3A_601, %jit3A_602 : i32
      %mul3A_604 = vector.broadcast %select_n3A_603 : i32 to vector<16xi32>
      %mul3A_605 = arith.muli %get3A_598, %mul3A_604 : vector<16xi32>
      %add3A_606 = arith.addi %add3A_596, %mul3A_605 : vector<16xi32>
      %get3A_607 = arith.constant 688 : index
      %get3A_608 = tpu.vector_load %arg7[%get3A_607] {strides = array<i32>} : memref<1024xi32, #tpu.memory_space<vmem>>, vector<16xi32>,
      %gt3A_609 = arith.constant 10 : i32
      %gt3A_610 = arith.cmpi sgt, %arg1, %gt3A_609 : i32
      %jit3A_611 = arith.constant 1 : i32
      %jit3A_612 = arith.constant 0 : i32
      %select_n3A_613 = arith.select %gt3A_610, %jit3A_611, %jit3A_612 : i32
      %mul3A_614 = vector.broadcast %select_n3A_613 : i32 to vector<16xi32>
      %mul3A_615 = arith.muli %get3A_608, %mul3A_614 : vector<16xi32>
      %add3A_616 = arith.addi %add3A_606, %mul3A_615 : vector<16xi32>
      %get3A_617 = arith.constant 752 : index
      %get3A_618 = tpu.vector_load %arg7[%get3A_617] {strides = array<i32>} : memref<1024xi32, #tpu.memory_space<vmem>>, vector<16xi32>,
      %gt3A_619 = arith.constant 11 : i32
      %gt3A_620 = arith.cmpi sgt, %arg1, %gt3A_619 : i32
      %jit3A_621 = arith.constant 1 : i32
      %jit3A_622 = arith.constant 0 : i32
      %select_n3A_623 = arith.select %gt3A_620, %jit3A_621, %jit3A_622 : i32
      %mul3A_624 = vector.broadcast %select_n3A_623 : i32 to vector<16xi32>
      %mul3A_625 = arith.muli %get3A_618, %mul3A_624 : vector<16xi32>
      %add3A_626 = arith.addi %add3A_616, %mul3A_625 : vector<16xi32>
      %get3A_627 = arith.constant 816 : index
      %get3A_628 = tpu.vector_load %arg7[%get3A_627] {strides = array<i32>} : memref<1024xi32, #tpu.memory_space<vmem>>, vector<16xi32>,
      %gt3A_629 = arith.constant 12 : i32
      %gt3A_630 = arith.cmpi sgt, %arg1, %gt3A_629 : i32
      %jit3A_631 = arith.constant 1 : i32
      %jit3A_632 = arith.constant 0 : i32
      %select_n3A_633 = arith.select %gt3A_630, %jit3A_631, %jit3A_632 : i32
      %mul3A_634 = vector.broadcast %select_n3A_633 : i32 to vector<16xi32>
      %mul3A_635 = arith.muli %get3A_628, %mul3A_634 : vector<16xi32>
      %add3A_636 = arith.addi %add3A_626, %mul3A_635 : vector<16xi32>
      %get3A_637 = arith.constant 880 : index
      %get3A_638 = tpu.vector_load %arg7[%get3A_637] {strides = array<i32>} : memref<1024xi32, #tpu.memory_space<vmem>>, vector<16xi32>,
      %gt3A_639 = arith.constant 13 : i32
      %gt3A_640 = arith.cmpi sgt, %arg1, %gt3A_639 : i32
      %jit3A_641 = arith.constant 1 : i32
      %jit3A_642 = arith.constant 0 : i32
      %select_n3A_643 = arith.select %gt3A_640, %jit3A_641, %jit3A_642 : i32
      %mul3A_644 = vector.broadcast %select_n3A_643 : i32 to vector<16xi32>
      %mul3A_645 = arith.muli %get3A_638, %mul3A_644 : vector<16xi32>
      %add3A_646 = arith.addi %add3A_636, %mul3A_645 : vector<16xi32>
      %get3A_647 = arith.constant 944 : index
      %get3A_648 = tpu.vector_load %arg7[%get3A_647] {strides = array<i32>} : memref<1024xi32, #tpu.memory_space<vmem>>, vector<16xi32>,
      %gt3A_649 = arith.constant 14 : i32
      %gt3A_650 = arith.cmpi sgt, %arg1, %gt3A_649 : i32
      %jit3A_651 = arith.constant 1 : i32
      %jit3A_652 = arith.constant 0 : i32
      %select_n3A_653 = arith.select %gt3A_650, %jit3A_651, %jit3A_652 : i32
      %mul3A_654 = vector.broadcast %select_n3A_653 : i32 to vector<16xi32>
      %mul3A_655 = arith.muli %get3A_648, %mul3A_654 : vector<16xi32>
      %add3A_656 = arith.addi %add3A_646, %mul3A_655 : vector<16xi32>
      %get3A_657 = arith.constant 1008 : index
      %get3A_658 = tpu.vector_load %arg7[%get3A_657] {strides = array<i32>} : memref<1024xi32, #tpu.memory_space<vmem>>, vector<16xi32>,
      %gt3A_659 = arith.constant 15 : i32
      %gt3A_660 = arith.cmpi sgt, %arg1, %gt3A_659 : i32
      %jit3A_661 = arith.constant 1 : i32
      %jit3A_662 = arith.constant 0 : i32
      %select_n3A_663 = arith.select %gt3A_660, %jit3A_661, %jit3A_662 : i32
      %mul3A_664 = vector.broadcast %select_n3A_663 : i32 to vector<16xi32>
      %mul3A_665 = arith.muli %get3A_658, %mul3A_664 : vector<16xi32>
      %add3A_666 = arith.addi %add3A_656, %mul3A_665 : vector<16xi32>
      %swap3A_667 = arith.constant 48 : index
      %swap3A_668 = tpu.vector_load %arg8[%swap3A_667] {strides = array<i32>} : memref<64xi32, #tpu.memory_space<vmem>>, vector<16xi32>,
      tpu.vector_store %arg8[%swap3A_667], %add3A_666 {strides = array<i32>} : memref<64xi32, #tpu.memory_space<vmem>>, vector<16xi32>,
      %scan3A_669 = arith.constant 0 : i32
      %scan3A_670 = arith.constant 0 : i32
      %scan3A_671 = arith.constant 128 : i32
      %scan3A_672 = arith.addi %scan3A_670, %scan3A_671 : i32
      %scan3A_673 = arith.constant 1 : i32
      scf.for %scan3A_675 = %scan3A_670 to %scan3A_672 step %scan3A_673  : i32 {
        %mul3A_676 = arith.constant 16 : i32
        %mul3A_677 = arith.muli %scan3A_675, %mul3A_676 : i32
        %get3A_678 = arith.index_cast %mul3A_677 : i32 to index
        %get3A_679 = tpu.vector_load %arg4[%get3A_678] {strides = array<i32>} : memref<2048xi32, #tpu.memory_space<vmem>>, vector<16xi32>,
        %mul3A_680 = arith.constant 16 : i32
        %mul3A_681 = arith.muli %scan3A_675, %mul3A_680 : i32
        %get3A_682 = arith.index_cast %mul3A_681 : i32 to index
        %get3A_683 = tpu.vector_load %arg5[%get3A_682] {strides = array<i32>} : memref<2048xi32, #tpu.memory_space<vmem>>, vector<16xi32>,
        %gather3A = tpu.vector_load_idx %arg8[%get3A_679] : memref<64xi32, #tpu.memory_space<vmem>>[vector<16xi32>], vector<16xi32>,
        %add3A_684 = arith.addi %get3A_683, %gather3A : vector<16xi32>
        %mul3A_685 = arith.constant 16 : i32
        %mul3A_686 = arith.muli %scan3A_675, %mul3A_685 : i32
        %swap3A_687 = arith.index_cast %mul3A_686 : i32 to index
        %swap3A_688 = tpu.vector_load %arg5[%swap3A_687] {strides = array<i32>} : memref<2048xi32, #tpu.memory_space<vmem>>, vector<16xi32>,
        tpu.vector_store %arg5[%swap3A_687], %add3A_684 {strides = array<i32>} : memref<2048xi32, #tpu.memory_space<vmem>>, vector<16xi32>,
      }
      %scan3A_674 = arith.constant 128 : i32
      "tpu.region"() ({
        %run_scoped3A = tpu.sem_alloc : memref<!tpu.dma_semaphore, #tpu.memory_space<semaphore_mem>>
        %dma_start3A = tpu.memref_slice %arg3[%mul3A_2] : memref<32768xi32, #tpu.memory_space<hbm>> -> memref<2048xi32, #tpu.memory_space<hbm>>
        %dma_start3A_675 = tpu.memref_slice %arg3[%mul3A_2] : memref<32768xi32, #tpu.memory_space<hbm>> -> memref<2048xi32, #tpu.memory_space<hbm>>
        tpu.enqueue_dma source(%arg5 : memref<2048xi32, #tpu.memory_space<vmem>>) target(%dma_start3A_675 : memref<2048xi32, #tpu.memory_space<hbm>>) target_semaphore(%run_scoped3A : memref<!tpu.dma_semaphore, #tpu.memory_space<semaphore_mem>>)
        %dma_wait3A = tpu.memref_slice %arg3[%mul3A_2] : memref<32768xi32, #tpu.memory_space<hbm>> -> memref<2048xi32, #tpu.memory_space<hbm>>
        %dma_wait3A_676 = tpu.memref_slice %arg3[%mul3A_2] : memref<32768xi32, #tpu.memory_space<hbm>> -> memref<2048xi32, #tpu.memory_space<hbm>>
        tpu.wait_dma2 semaphore(%run_scoped3A : memref<!tpu.dma_semaphore, #tpu.memory_space<semaphore_mem>>) src(%arg5 : memref<2048xi32, #tpu.memory_space<vmem>>) dst(%dma_wait3A_676 : memref<2048xi32, #tpu.memory_space<hbm>>)
        tpu.yield
      }) : () -> ()
    } else {
    }
    return
  }
}

module attributes {stable_mosaic.version = 14 : i64} {
  func.func @_gate_block(%arg0: i32, %arg1: memref<512x4096xf32, #tpu.memory_space<vmem>>, %arg2: memref<64x4096xf32, #tpu.memory_space<vmem>>, %arg3: memref<1x1x512xi32, #tpu.memory_space<vmem>>, %arg4: memref<1x1x512xf32, #tpu.memory_space<vmem>>) attributes {dimension_semantics = [#tpu.dimension_semantics<arbitrary>], iteration_bounds = array<i64: 64>, scalar_prefetch = 0 : i64, scratch_operands = 0 : i64, tpu.core_type = #tpu.core_type<tc>, window_params = [{transform_indices = @transform_0, window_bounds = array<i64: 512, 4096>}, {pipeline_mode = #tpu.pipeline_mode<synchronous>, transform_indices = @transform_1, window_bounds = array<i64: 64, 4096>}, {transform_indices = @transform_2, window_bounds = array<i64: 1, 1, 512>}, {transform_indices = @transform_3, window_bounds = array<i64: 1, 1, 512>}]} {
    %get3A = arith.constant 0 : index
    %get3A_0 = arith.constant 0 : index
    %get3A_1 = vector.load %arg1[%get3A, %get3A_0] : memref<512x4096xf32, #tpu.memory_space<vmem>>, vector<512x4096xf32>
    %get3A_2 = arith.constant 0 : index
    %get3A_3 = arith.constant 0 : index
    %get3A_4 = vector.load %arg2[%get3A_2, %get3A_3] : memref<64x4096xf32, #tpu.memory_space<vmem>>, vector<64x4096xf32>
    %dot_general3A = arith.constant dense<0.000000e+00> : vector<512x64xf32>
    %dot_general3A_5 = tpu.matmul %get3A_1, %get3A_4, %dot_general3A {dimension_numbers = #tpu.dot_dimension_numbers<[1], [1], [0], [0], [0, 0, 1, 0], [], []>, transpose_lhs_hint = false} : vector<512x4096xf32>, vector<64x4096xf32>, vector<512x64xf32> -> vector<512x64xf32>
    %reduce_max3A = arith.constant dense<0xFF800000> : vector<512xf32>
    %reduce_max3A_6 = vector.multi_reduction <maximumf>, %dot_general3A_5, %reduce_max3A [1] : vector<512x64xf32> to vector<512xf32>
    %broadcast_in_dim3A = vector.shape_cast %reduce_max3A_6 : vector<512xf32> to vector<512x1xf32>
    %iota3A = tpu.iota {dimensions = array<i32: 1>} : vector<512x64xi32>
    %eq3A = vector.broadcast %broadcast_in_dim3A : vector<512x1xf32> to vector<512x64xf32>
    %eq3A_7 = arith.cmpf oeq, %dot_general3A_5, %eq3A : vector<512x64xf32>
    %jit3A = arith.constant 64 : i32
    %broadcast_in_dim3A_8 = vector.broadcast %jit3A : i32 to vector<512x64xi32>
    %select_n3A = arith.select %eq3A_7, %iota3A, %broadcast_in_dim3A_8 : vector<512x64xi1>, vector<512x64xi32>
    %reduce_min3A = arith.constant dense<2147483647> : vector<512xi32>
    %reduce_min3A_9 = vector.multi_reduction <minsi>, %select_n3A, %reduce_min3A [1] : vector<512x64xi32> to vector<512xi32>
    %sub3A = vector.broadcast %broadcast_in_dim3A : vector<512x1xf32> to vector<512x64xf32>
    %sub3A_10 = arith.subf %dot_general3A_5, %sub3A : vector<512x64xf32>
    %exp3A = math.exp %sub3A_10 : vector<512x64xf32>
    %reduce_sum3A = arith.constant dense<0.000000e+00> : vector<512xf32>
    %reduce_sum3A_11 = vector.multi_reduction <add>, %exp3A, %reduce_sum3A [1] : vector<512x64xf32> to vector<512xf32>
    %div3A = arith.constant 1.000000e+00 : f32
    %div3A_12 = vector.broadcast %div3A : f32 to vector<512xf32>
    %div3A_13 = arith.divf %div3A_12, %reduce_sum3A_11 : vector<512xf32>
    %reshape3A = vector.shape_cast %reduce_min3A_9 : vector<512xi32> to vector<1x1x512xi32>
    %swap3A = arith.constant 0 : index
    %swap3A_14 = arith.constant 0 : index
    %swap3A_15 = arith.constant 0 : index
    %swap3A_16 = vector.load %arg3[%swap3A, %swap3A_14, %swap3A_15] : memref<1x1x512xi32, #tpu.memory_space<vmem>>, vector<1x1x512xi32>
    tpu.vector_store %arg3[%swap3A, %swap3A_14, %swap3A_15], %reshape3A {strides = array<i32>} : memref<1x1x512xi32, #tpu.memory_space<vmem>>, vector<1x1x512xi32>,
    %reshape3A_17 = vector.shape_cast %div3A_13 : vector<512xf32> to vector<1x1x512xf32>
    %swap3A_18 = arith.constant 0 : index
    %swap3A_19 = arith.constant 0 : index
    %swap3A_20 = arith.constant 0 : index
    %swap3A_21 = vector.load %arg4[%swap3A_18, %swap3A_19, %swap3A_20] : memref<1x1x512xf32, #tpu.memory_space<vmem>>, vector<1x1x512xf32>
    tpu.vector_store %arg4[%swap3A_18, %swap3A_19, %swap3A_20], %reshape3A_17 {strides = array<i32>} : memref<1x1x512xf32, #tpu.memory_space<vmem>>, vector<1x1x512xf32>,
    return
  }
  func.func @transform_0(%arg0: i32) -> (i32, i32) {
    %c0_i32 = arith.constant 0 : i32
    %c0_i32_0 = arith.constant 0 : i32
    return %arg0, %c0_i32 : i32, i32
  }
  func.func @transform_1(%arg0: i32) -> (i32, i32) {
    %c0_i32 = arith.constant 0 : i32
    %c0_i32_0 = arith.constant 0 : i32
    %c0_i32_1 = arith.constant 0 : i32
    return %c0_i32, %c0_i32_0 : i32, i32
  }
  func.func @transform_2(%arg0: i32) -> (i32, i32, i32) {
    %c0_i32 = arith.constant 0 : i32
    %c0_i32_0 = arith.constant 0 : i32
    %c0_i32_1 = arith.constant 0 : i32
    return %arg0, %c0_i32, %c0_i32_0 : i32, i32, i32
  }
  func.func @transform_3(%arg0: i32) -> (i32, i32, i32) {
    %c0_i32 = arith.constant 0 : i32
    %c0_i32_0 = arith.constant 0 : i32
    %c0_i32_1 = arith.constant 0 : i32
    return %arg0, %c0_i32, %c0_i32_0 : i32, i32, i32
  }
}

</mosaic_0001>

<sc_bundles>
// kernel: kernel.4.cloned.1.call-start
scs
__scs_entry_jumppad:
0x0: {  	(pc) =	sbr.rel $0x88, $3  }
0x1: {  	(tag) =	ssettag $0x0;
	lr =	simm.s32 $0x1  }
0x2: {  	[smem:$0x3F9F] =	sst lr;
	_ =	strace $0xD0000000  }
0x3: {  	_ = 	snop  }
0x4: {  	_ = 	snop  }
0x5: {  	_ = 	snop  }
0x6: {  	_ = 	snop  }
0x7: {  	_ = 	snop  }
__scs_overlays_trampoline_lowered:
0x8: {  	[smem:$0x3FAE] =	sst s0  }
0x9: {  	[smem:$0x3FAF] =	sst s1  }
0xa: {  	[smem:$0x3FB0] =	sst s2  }
0xb: {  	[smem:$0x3FB1] =	sst s3  }
0xc: {  	[smem:$0x3FB2] =	sst s4  }
0xd: {  	[smem:$0x3FB3] =	sst s5  }
0xe: {  	[smem:$0x3FB4] =	sst s6  }
0xf: {  	[smem:$0x3FB5] =	sst s7  }
0x10: {  	[smem:$0x3FB6] =	sst s8  }
0x11: {  	[smem:$0x3FB7] =	sst s9;
	s0 =	simm.s32 @!p0 $0x0  }
0x12: {  	s1 =	sld [smem:$0x3F9D];
	s0 =	simm.s32 @p0 $0x1  }
0x13: {  	[smem:$0x3FB8] =	sst s0;
	s0 =	simm.s32 @!p1 $0x0  }
0x14: {  	s2 =	sld [smem:$0x3F9C];
	s0 =	simm.s32 @p1 $0x1  }
0x15: {  	[smem:$0x3FB9] =	sst s0;
	s0 =	simm.s32 @!p2 $0x0  }
0x16: {  	s3 =	sld [smem:$0x3FDB];
	s0 =	simm.s32 @p2 $0x1  }
0x17: {  	s4 =	simm.s32 $0x1BF5;
	[smem:$0x3FBB] =	sst s0  }
0x18: {  	s0 =	sld [smem:$0x3F9E];
	_ =	swait.ge [sflag:s4], $0x0  }
0x19: {  	s7 =	sld [smem:$0x3F9F]  }
0x1a: {  	s8 =	sadd.s32 $0xFFFFE003, lr  }
0x1b: {  	s9 =	sadd.s32 $0xFFFFFEF7, lr;
	s5 =	simm.s32 $0xFFFFFFFF;
	p2 =	slt.u32 s8, $0xFFFFF086  }
0x1c: {  	p1 =	slt.u32 s9, $0xF7A;
	s5 =	simm.s32 @!p2 $0x0  }
0x1d: {  	s5 =	simm.s32 @p1 $0x1;
	p0 =	seq.s32 s7, s2  }
0x1e: {  	s7 =	smul.u32 @!p0 $0xF7A, s2;
	p2 =	seq.s32 @!p0 s5, $0x0  }
0x1f: {  	s9 =	smul.u32 $0xF7A, s1;
	s8 =	simm.s32 @!p0 $0x1BF5;
	p2 =	por !p2, p0  }
0x20: {  	[sflag:s8] =	ssyncset.s32 @!p0 $0xFFFFF086;
	s6 =	sadd.s32 @!p0 s3, s7;
	s7 =	simm.s32 @!p0 $0x108  }
0x21: {  	s3 =	sadd.s32 s3, s9;
	s6 =	sadd.s32 @!p0 $0x88, s6;
	s7 =	simm.s32 @p2 $0x1082  }
0x22: {  	[simem:s7], [sflag:s8] =	dma.local @!p0 [hbm:s6], $0xF7A  }
0x23: {  	s9 =	sor.u32 $0xD0000000, s2;
	s6 =	simm.s32 $0x108;
	_ =	swait.ge @!p0 [sflag:s8], $0x0  }
0x24: {  	s3 =	sadd.s32 $0x88, s3;
	s6 =	simm.s32 @!p1 $0x1082;
	[sflag:s4] =	ssyncset.s32 $0xFFFFF086  }
0x25: {  	[simem:s6], [sflag:s4] =	dma.local [hbm:s3], $0xF7A  }
0x26: {  	[smem:$0x3F9F] =	sst s1;
	(tag) =	ssettag s2;
	_ =	strace s9  }
0x27: {  	s1 =	sld [smem:$0x3FAF]  }
0x28: {  	s2 =	sld [smem:$0x3FB0]  }
0x29: {  	s4 =	sld [smem:$0x3FB2]  }
0x2a: {  	p0 =	seq.s32 s5, $0x0;
	s5 =	sld [smem:$0x3FB3]  }
0x2b: {  	s6 =	sld [smem:$0x3FB4]  }
0x2c: {  	s7 =	sld [smem:$0x3FB5]  }
0x2d: {  	s3 =	simm.s32 $0x108;
	s8 =	sld [smem:$0x3FB6]  }
0x2e: {  	s3 =	simm.s32 @!p0 $0x1082;
	s9 =	sld [smem:$0x3FB7]  }
0x2f: {  	lr =	sadd.s32 s0, s3;
	s0 =	sld [smem:$0x3FAE]  }
0x30: {  	s3 =	sld [smem:$0x3FB1]  }
0x31: {  	[smem:$0x3FBA] =	sst s10  }
0x32: {  	s10 =	sld [smem:$0x3FB8];
	_ =	sdelay $0x3  }
0x33: {  	p0 =	seq.s32 s10, $0x1;
	s10 =	sld [smem:$0x3FBA];
	_ =	sdelay $0x3  }
0x34: {  	[smem:$0x3FBA] =	sst s10  }
0x35: {  	s10 =	sld [smem:$0x3FB9];
	_ =	sdelay $0x3  }
0x36: {  	p1 =	seq.s32 s10, $0x1;
	s10 =	sld [smem:$0x3FBA];
	_ =	sdelay $0x3  }
0x37: {  	[smem:$0x3FBA] =	sst s10  }
0x38: {  	s10 =	sld [smem:$0x3FBB]  }
0x39: {  	_ = 	snop;
	(pc) =	sbr.ind lr, $3  }
0x3a: {  	_ = 	snop  }
0x3b: {  	_ = 	snop  }
0x3c: {  	p2 =	seq.s32 s10, $0x1;
	s10 =	sld [smem:$0x3FBA]  }
0x3d: {  	_ =	shalt  }
0x3e: {  	_ =	shalt  }
0x3f: {  	_ =	shalt  }
0x40: {  	_ =	shalt  }
0x41: {  	_ =	shalt  }
0x42: {  	_ =	shalt  }
0x43: {  	_ =	shalt  }
0x44: {  	_ =	shalt  }
0x45: {  	_ =	shalt  }
0x46: {  	_ =	shalt  }
0x47: {  	_ =	shalt  }
0x48: {  	_ =	shalt  }
0x49: {  	_ =	shalt  }
0x4a: {  	_ =	shalt  }
0x4b: {  	_ =	shalt  }
0x4c: {  	_ =	shalt  }
0x4d: {  	_ =	shalt  }
0x4e: {  	_ =	shalt  }
0x4f: {  	_ =	shalt  }
0x50: {  	_ =	shalt  }
0x51: {  	_ =	shalt  }
0x52: {  	_ =	shalt  }
0x53: {  	_ =	shalt  }
0x54: {  	_ =	shalt  }
0x55: {  	_ =	shalt  }
0x56: {  	_ =	shalt  }
0x57: {  	_ =	shalt  }
0x58: {  	_ =	shalt  }
0x59: {  	_ =	shalt  }
0x5a: {  	_ =	shalt  }
0x5b: {  	_ =	shalt  }
0x5c: {  	_ =	shalt  }
0x5d: {  	_ =	shalt  }
0x5e: {  	_ =	shalt  }
0x5f: {  	_ =	shalt  }
0x60: {  	_ =	shalt  }
0x61: {  	_ =	shalt  }
0x62: {  	_ =	shalt  }
0x63: {  	_ =	shalt  }
0x64: {  	_ =	shalt  }
0x65: {  	_ =	shalt  }
0x66: {  	_ =	shalt  }
0x67: {  	_ =	shalt  }
0x68: {  	_ =	shalt  }
0x69: {  	_ =	shalt  }
0x6a: {  	_ =	shalt  }
0x6b: {  	_ =	shalt  }
0x6c: {  	_ =	shalt  }
0x6d: {  	_ =	shalt  }
0x6e: {  	_ =	shalt  }
0x6f: {  	_ =	shalt  }
0x70: {  	_ =	shalt  }
0x71: {  	_ =	shalt  }
0x72: {  	_ =	shalt  }
0x73: {  	_ =	shalt  }
0x74: {  	_ =	shalt  }
0x75: {  	_ =	shalt  }
0x76: {  	_ =	shalt  }
0x77: {  	_ =	shalt  }
0x78: {  	_ =	shalt  }
0x79: {  	_ =	shalt  }
0x7a: {  	_ =	shalt  }
0x7b: {  	_ =	shalt  }
0x7c: {  	_ =	shalt  }
0x7d: {  	_ =	shalt  }
0x7e: {  	_ =	shalt  }
0x7f: {  	_ =	shalt  }
0x80: {  	_ =	shalt  }
0x81: {  	_ =	shalt  }
0x82: {  	_ =	shalt  }
0x83: {  	_ =	shalt  }
0x84: {  	_ =	shalt  }
0x85: {  	_ =	shalt  }
0x86: {  	_ =	shalt  }
0x87: {  	_ =	shalt  }
.Lfunc_end0:
.L_simem_size_0:
called_computation_lowered:
.L_overlay_start_0:
0x88: {  	s2 =	sld [smem:$0x3FD9]  }
0x89: {  	s3 =	sld [smem:$0x3FFE];
	_ =	sdelay $0x1  }
0x8a: {  	s1 =	srdreg.scid  }
0x8b: {  	s0 =	sand.u32 $0x1, s1  }
0x8c: {  	s15 =	sshll.u32 s0, $0xA;
	s2 =	sadd.s32 s3, s2  }
0x8d: {  	s2 =	sadd.s32 s2, s15  }
0x8e: {  	[smem:$0x3FC6] =	sst s2  }
0x8f: {  	_ = 	snop  }
0x90: {  	s2 =	sld [smem:$0x3FD0];
	_ =	sdelay $0x2  }
0x91: {  	s16 =	simm.s32 $0xA;
	s4 =	simm.s32 $0x10  }
0x92: {  	[smem:s4], [sflag:s16] =	dma.local [hbm:s2], $0x1  }
0x93: {  	_ =	swait.eq [sflag:s16], $0x1  }
0x94: {  	[sflag:s16] =	ssyncset.done $0x0  }
0x95: {  	s17 =	sld [smem:$0x10];
	[sflag:s16] =	ssyncadd.s32 $0xFFFFFFFF  }
0x96: {  	s18 =	sld [smem:$0x12];
	(tm) =	ssettm $0x1  }
0x97: {  	s19 =	sld [smem:$0x3FFB];
	_ =	sdelay $0x3  }
0x98: {  	_ =	strace s19  }
0x99: {  	s4 =	sld [smem:$0x3FFC];
	_ =	sdelay $0x3  }
0x9a: {  	_ =	strace s4  }
0x9b: {  	s4 =	sld [smem:$0x3FFD];
	_ =	sdelay $0x3  }
0x9c: {  	_ =	strace s4  }
0x9d: {  	_ =	strace $0x8FFFFFFF  }
0x9e: {  	s20 =	sld [smem:$0x3FDB];
	_ =	sdelay $0x1  }
0x9f: {  	s5 =	simm.s32 $_scs_section_size  }
0xa0: {  	s6 =	simm.s32 $_size__tile_overlayer_lowered;
	s7 =	simm.s32 $_tile_overlayer_lowered  }
0xa1: {  	s23 =	simm.s32 $0x1BFF;
	s22 =	sshll.u32 s7, $0x1;
	s4 =	sadd.s32 s5, s20  }
0xa2: {  	s8 =	simm.s32 $0x0;
	s21 =	sshll.u32 s6, $0x1;
	s6 =	sadd.s32 s22, s4  }
0xa3: {  	[timem:s8], [sflag:s23] =	dma.local [hbm:s6], s21  }
0xa4: {  	_ =	swait.ge [sflag:s23], s21  }
0xa5: {  	s5 =	ssub.s32 $0x0, s21;
	[sflag:s23] =	ssyncset.done $0x0  }
0xa6: {  	[sflag:s23] =	ssyncadd.s32 s5;
	_ =	sdelay $0x1  }
0xa7: {  	s24 =	simm.s32 $0x1B8B  }
0xa8: {  	_ =	swait.ge [sflag:s24], $0x1  }
0xa9: {  	[sflag:s24] =	ssyncset.done $0x0  }
0xaa: {  	s25 =	simm.s32 $0x1B8E;
	[sflag:s24] =	ssyncadd.s32 $0xFFFFFFFF  }
0xab: {  	s26 =	simm.s32 $execute0_lowered;
	[smem:$0x3FD2] =	sst s25  }
0xac: {  	s5 =	sshll.u32 s26, $0x1;
	_ =	strace $0x80000046;
	[dreg:$0x1] =	wrdreg $0xFFFFFFFF  }
0xad: {  	s28 =	simm.s32 $_size_execute0_lowered;
	s4 =	sadd.s32 s4, s5;
	[dreg:$0x0] =	wrdreg $0x0  }
0xae: {  	s5 =	sshll.u32 s28, $0x1;
	[dreg:$0x2] =	wrdreg s4  }
0xaf: {  	[dreg:$0x3] =	wrdreg s5  }
0xb0: {  	[dreg:$0x4] =	wrdreg $0xC0  }
0xb1: {  	_ =	task [dreg:s8], $0x5FFFF  }
0xb2: {  	[dreg:$0x1] =	wrdreg $0xFFFFFFFF  }
0xb3: {  	[dreg:$0x0] =	wrdreg $0x60  }
0xb4: {  	[dreg:$0x2] =	wrdreg s17  }
0xb5: {  	[dreg:$0x3] =	wrdreg s18  }
0xb6: {  	[dreg:$0x4] =	wrdreg $0x15000  }
0xb7: {  	[dreg:$0x5] =	wrdreg $0x9  }
0xb8: {  	_ =	task.clear_ibuf [dreg:s8], $0x6FFFF;
	_ =	strace $0x90000046  }
0xb9: {  	s29 =	simm.s32 $0x9;
	_ =	strace $0x80000048  }
0xba: {  	_ =	swait.ge [sflag:s29], $0x1  }
0xbb: {  	[sflag:s29] =	ssyncadd.s32 $0xFFFFFFFF  }
0xbc: {  	_ =	strace $0x90000048  }
0xbd: {  	_ =	sfence  }
0xbe: {  	s30 =	sld [smem:$0x0];
	_ =	sdelay $0x2  }
0xbf: {  	s31 =	sshll.u32 s1, $0xD;
	s1 =	sshrl.u32 s1, $0x2  }
0xc0: {  	s3 =	sand.u32 $0x4000, s31;
	s1 =	sadd.s32 s1, s30  }
0xc1: {  	s0 =	sor.u32 s3, s0;
	s1 =	sshll.u32 s1, $0x11  }
0xc2: {  	s0 =	sor.u32 s1, s0  }
0xc3: {  	s0 =	sadd.s32 $0x8F2B, s0  }
0xc4: {  	[sflag:s0] =	ssyncadd.remote.s32 $0x1  }
0xc5: {  	_ =	sfence.sel $0xFFFF  }
0xc6: {  	[dreg:$0x0] =	wrdreg $0xFFFFFFFF;
	(pc) =	sbr.abs _section_cstart, $3  }
0xc7: {  	[dreg:$0x1] =	wrdreg $0xFFFFFFFF  }
0xc8: {  	_ =	task.clear_ibuf [dreg:s8], $0x2FFFF;
	_ =	strace $0x9FFFFFFF  }
0xc9: {  	(tm) =	ssettm $0x7FFFFFFF  }
tec
execute0_lowered:
.L_overlay_start_1:
0x0: {  	(tag) =	ssettag $0x1  }
0x1: {  	s3 =	srdreg.scid  }
0x2: {  	s5 =	sand.u32 $0x1, s3  }
0x3: {  	p1 =	seq.s32 s5, $0x1  }
.Ltmp0:
0x4: {  	s4 =	rddreg [dreg:$0x0];
	(pc) =	sbr.rel @p1 .LBB2_6-.Ltmp0, $4  }
0x5: {  	s2 =	rddreg [dreg:$0x1]  }
0x6: {  	s1 =	rddreg [dreg:$0x2];
	s6 =	simm.s32 $0x0  }
0x7: {  	[smem:$0x7FF] =	sst s6;
	s3 =	stileid.u32  }
0x8: {  	s0 =	rddreg [dreg:$0x3];
	_ =	strace $0x80000047;
	p0 =	sne.s32 s3, $0x0  }
0x9: {  	v0 =	vimm.s32 $0xEDCBA987;
	v1 =	vimm.s32 $0x65432100;
	v12 =	vimm.s32 $0x87654321  }
0xa: {  	v3 =	vimm.s32 $0xFFEDCBA9;
	v4 =	vimm.s32 $0xDCBA9876;
	v5 =	vimm.s32 $0x54321000  }
0xb: {  	vm0 =	vcmask $0x300;
	vm3 =	vcmask $0x3B00;
	vm2 =	vcmask $0x700  }
0xc: {  	v15 =	vimm.s32 $0x98765432;
	v32 =	vimm.s32 $0xFFFEDCBA;
	v8 =	vimm.s32 $0xCBA98765  }
0xd: {  	v10 =	vimm.s32 $0x43210000;
	v34 =	vimm.s32 $0xA9876543;
	vm4 =	vcmask $0x3700  }
0xe: {  	vm6 =	vcmask $0xB00;
	vm5 =	vcmask $0x1F00;
	vm10 =	vcmask $0x2F20  }
0xf: {  	v40 =	vimm.s32 $0x39000;
	vm1 =	vcmask $0x3300;
	vm7 =	vcmask $0xF00  }
0x10: {  	vm8 =	vcmask $0x2F00;
	vm11 =	vcmask $0x3F24;
	vm9 =	vcmask $0x1300  }
0x11: {  	v21 =	vimm.s32 $0xF0F0E0D;
	v22 =	vimm.s32 $0x98765400;
	vm13 =	vcmask $0x3F28  }
0x12: {  	vm12 =	vcmask $0x2700;
	v26 =	vimm.s32 $0xE40000;
	vm14 =	vcmask $0x3B2C  }
0x13: {  	v30 =	vimm.s32 $0x7060504;
	v31 =	vimm.s32 $0xFEDCBA98;
	vm15 =	vcmask $0x3F30  }
0x14: {  	v41 =	vimm.s32 $0xE400000;
	v48 =	vimm.s32 $0x6050400;
	v61 =	vimm.s32 $0x1  }
0x15: {  	v0 =	vunpack.c.l.s4.s8 v0;
	v1 =	vunpack.c.l.s4.s8 v1;
	v3 =	vunpack.c.l.s4.s8 v3  }
0x16: {  	v4 =	vunpack.c.l.s4.s8 v4;
	v5 =	vunpack.c.l.s4.s8 v5;
	v7 =	vunpack.c.l.s4.s8 v15  }
0x17: {  	v9 =	vunpack.c.l.s4.s8 v32;
	v8 =	vunpack.c.l.s4.s8 v8;
	v10 =	vunpack.c.l.s4.s8 v10  }
0x18: {  	v37 =	vunpack.c.l.s4.s8 v34;
	v15 =	vunpack.c.l.s2.s4 v40;
	v52 =	vunpack.c.0.s8.s32 v21  }
0x19: {  	v21 =	vunpack.c.l.s4.s8 v22;
	v22 =	vimm.s32 $0x390000;
	v26 =	vunpack.c.l.s2.s4 v26  }
0x1a: {  	v30 =	vunpack.c.0.s8.s32 v30;
	v31 =	vunpack.c.l.s4.s8 v31;
	v32 =	vimm.s32 $0x3900000  }
0x1b: {  	v42 =	vunpack.c.l.s2.s4 v41;
	v41 =	vimm.s32 $0x2;
	v22 =	vunpack.c.l.s2.s4 v22  }
0x1c: {  	v32 =	vunpack.c.l.s2.s4 v32;
	v27 =	vunpack.c.0.s8.s32 v0;
	v1 =	vunpack.c.0.s8.s32 v1  }
0x1d: {  	v0 =	vimm.s32 $0x0;
	v35 =	vunpack.c.0.s8.s32 v3;
	v23 =	vunpack.c.0.s8.s32 v4  }
0x1e: {  	v5 =	vunpack.c.0.s8.s32 v5;
	v7 =	vunpack.c.0.s8.s32 v7;
	v60 =	vunpack.c.0.s8.s32 v9  }
0x1f: {  	v19 =	vunpack.c.0.s8.s32 v8;
	v36 =	vunpack.c.0.s8.s32 v10;
	v38 =	vunpack.c.0.s8.s32 v37  }
0x20: {  	v15 =	vunpack.c.l.s4.s8 v15;
	v21 =	vunpack.c.0.s8.s32 v21;
	v29 =	vunpack.c.l.s4.s8 v26  }
0x21: {  	v31 =	vunpack.c.0.s8.s32 v31;
	v37 =	vimm.s32 $0x39000000;
	v8 =	vsel vm12, $0x0, v61  }
0x22: {  	v54 =	vsel vm3, $0x1, v0;
	v59 =	vsel vm4, $0x1, v0;
	v47 =	vsel vm1, $0x1, v0  }
0x23: {  	v25 =	vunpack.c.l.s4.s8 v22;
	v53 =	vsel vm12, $0x1, v0;
	v37 =	vunpack.c.l.s2.s4 v37  }
0x24: {  	v22 =	vimm.s32 $0xF;
	v9 =	vsel vm6, $0x1, v0;
	v2 =	vand.u32 $0xF, v27  }
0x25: {  	v14 =	vand.u32 $0xF, v23;
	v62 =	vcombine.low v7, v60;
	v11 =	vand.u32 $0xF, v19  }
0x26: {  	v18 =	vunpack.c.0.s8.s32 v15;
	v19 =	vnsel vm5, $0xF, v19;
	v23 =	vnsel vm5, $0xF, v23  }
0x27: {  	v29 =	vunpack.c.0.s8.s32 v29;
	v4 =	vnsel vm5, $0xF, v35;
	v49 =	vcombine.low v1, v2  }
0x28: {  	v2 =	vunpack.c.l.s4.s8 v12;
	v1 =	vimm.s32 $0x1;
	v51 =	vcombine.low v5, v14  }
0x29: {  	v63 =	vcombine.low v36, v11;
	v12 =	vimm.s32 $0xBA987654;
	v11 =	vnsel vm5, $0xF, v38  }
0x2a: {  	v14 =	vimm.s32 $0xE0D0C0B;
	v19 =	vsel vm10, v52, v19;
	v36 =	vunpack.c.l.s4.s8 v32  }
0x2b: {  	v38 =	vimm.s32 $0xE4000000;
	v10 =	vunpack.c.l.s4.s8 v37;
	v13 =	vsel vm0, $0x0, v1  }
0x2c: {  	v33 =	vsel vm2, $0x0, v1;
	v55 =	vsel vm6, $0x0, v1;
	v12 =	vunpack.c.l.s4.s8 v12  }
0x2d: {  	v56 =	vunpack.c.0.s8.s32 v14;
	v14 =	vsel vm7, $0x0, v1;
	v18 =	vand.u32 $0x3, v18  }
0x2e: {  	v38 =	vunpack.c.l.s2.s4 v38;
	v6 =	vunpack.c.0.s8.s32 v2;
	[tilespmem:$0x1FEF0] =	vst v13;
	v13 =	vimm.s32 $0x32100000  }
0x2f: {  	s5 =	sshll.u32 s3, $0x8;
	[tilespmem:$0x1FF00] =	vst v33;
	v33 =	vand.u32 $0x3, v29;
	v29 =	vlaneseq.u32;
	v36 =	vunpack.c.0.s8.s32 v36  }
0x30: {  	s7 =	simm.s32 $0x1;
	s4 =	sadd.s32 s4, s5;
	v2 =	vsel vm7, $0x1, v0;
	v13 =	vunpack.c.l.s4.s8 v13;
	v39 =	vunpack.c.0.s8.s32 v12  }
0x31: {  	[tilespmem:s6], [sflag:$0x1] =	stream.linear.gather [hbm4b:s4+s6], $0x800, $0x38;
	v45 =	vsel vm10, v56, v11;
	v5 =	vshrl.u32 v29, $0x3;
	v44 =	vsel vm15, v30, v33;
	[tilespmem:$0x1540] =	vst v63  }
0x32: {  	v33 =	vunpack.c.l.s4.s8 v42;
	_ =	swait.ge [sflag:s7], $0x800;
	vm15 =	vcmask $0x3F34;
	v38 =	vunpack.c.l.s4.s8 v38  }
0x33: {  	v12 =	vunpack.c.0.s8.s32 v10;
	v42 =	vsel vm4, $0x0, v41;
	v10 =	vsel vm2, $0x1, v0;
	[sflag:s7] =	ssyncset.done $0x0  }
0x34: {  	v29 =	vnsel vm7, $0xF, v56;
	v58 =	vcombine.low v6, v35;
	v34 =	vmul.u32 $0xFFFFFFFF, v5;
	[sflag:s7] =	ssyncadd.s32 $0xFFFFF800  }
0x35: {  	v36 =	vand.u32 $0x3, v36;
	v35 =	vsel vm9, $0x1, v0;
	v6 =	vsel vm8, $0x0, v61;
	[tilespmem:$0x1000] =	vst v0  }
0x36: {  	v13 =	vunpack.c.0.s8.s32 v13;
	v16 =	vand.u32 $0xF, v39;
	v17 =	vnsel vm5, $0xF, v39;
	[tilespmem:$0x1010] =	vst v0  }
0x37: {  	v39 =	vunpack.c.0.s8.s32 v33;
	v40 =	vunpack.c.0.s8.s32 v38;
	v38 =	vsel vm0, $0xE, v22;
	[tilespmem:$0x1020] =	vst v0  }
0x38: {  	s30 =	simm.s32 $0x0;
	v3 =	vadd.s32 $0x1, v34;
	v34 =	vunpack.c.0.s8.s32 v48;
	[tilespmem:$0x1030] =	vst v0;
	v48 =	vsel vm3, $0x0, v61  }
0x39: {  	v13 =	vcombine.low v13, v16;
	v16 =	vimm.s32 $0xF0E0D0C;
	v11 =	vand.u32 $0x3, v39;
	v41 =	vld [tilespmem:s30+$0x0]  }
0x3a: {  	v39 =	vand.u32 $0x3, v12;
	v50 =	vunpack.c.0.s8.s32 v16;
	v16 =	vimm.s32 $0xA9876540  }
0x3b: {  	v12 =	vsel vm4, $0x0, v61;
	v32 =	vsel vm15, v34, v36;
	v16 =	vunpack.c.l.s4.s8 v16  }
0x3c: {  	v37 =	vnsel vm4, $0x5, v11;
	v36 =	vnsel vm3, $0x4, v39;
	v15 =	vsel vm10, v50, v17  }
0x3d: {  	[tilespmem:$0x1FE00] =	vst v62;
	vm10 =	vcmask $0x2B00;
	v17 =	vunpack.c.0.s8.s32 v16;
	v16 =	vimm.s32 $0xE4000  }
0x3e: {  	[tilespmem:$0x1FDD0] =	vst v58;
	v11 =	vsel vm10, $0x0, v61;
	v58 =	vperm.xlane v41, v58;
	v33 =	vperm.xlane v41, v19  }
0x3f: {  	[tilespmem:$0x1FE10] =	vst v63;
	v20 =	vunpack.c.l.s2.s4 v16;
	v39 =	vperm.xlane v41, v22;
	v62 =	vperm.xlane v41, v62  }
0x40: {  	[tilespmem:$0x1FE20] =	vst v49;
	v16 =	vsel vm8, $0x1, v0;
	v63 =	vperm.xlane v41, v63;
	v49 =	vperm.xlane v41, v49  }
0x41: {  	v17 =	vsel vm11, v17, v18;
	vm11 =	vcmask $0x1700;
	v20 =	vunpack.c.l.s4.s8 v20  }
0x42: {  	v18 =	vsel vm9, $0x0, v1;
	v57 =	vsel vm11, $0x0, v1;
	vm3 =	veq.s32 v58, v41  }
0x43: {  	vm2 =	veq.s32 v39, v41;
	vm4 =	veq.s32 v33, v41;
	v20 =	vunpack.c.0.s8.s32 v20  }
0x44: {  	vm12 =	veq.s32 v49, v41;
	vm9 =	veq.s32 v63, v41;
	v39 =	vperm.xlane v41, v13  }
0x45: {  	[tilespmem:$0x1FE50] =	vst v54;
	v49 =	vperm.xlane v41, v45;
	v54 =	vnsel vm3, $0x0, v54;
	v24 =	vand.u32 $0x3, v20  }
0x46: {  	v43 =	vsel vm13, v21, v24;
	v24 =	vunpack.c.0.s8.s32 v25;
	v25 =	vimm.s32 $0x4070605  }
0x47: {  	v20 =	vsel vm10, $0x1, v0;
	vm13 =	vcmask $0x2320;
	v25 =	vunpack.c.0.s8.s32 v25  }
0x48: {  	v23 =	vsel vm13, $0xE, v23;
	vm13 =	vcmask $0x1B00;
	v24 =	vand.u32 $0x3, v24  }
0x49: {  	v26 =	vsel vm13, $0x0, v1;
	v1 =	vnsel vm5, $0xF, v31;
	v7 =	vsel vm13, $0x1, v0  }
0x4a: {  	v31 =	vnsel vm7, $0xF, v52;
	v52 =	vperm.xlane v41, v17;
	v28 =	vnsel vm10, $0x8, v24  }
0x4b: {  	v24 =	vsel vm14, v25, v28;
	vm14 =	vcmask $0x2300;
	v28 =	vnsel vm5, $0xF, v27  }
0x4c: {  	v27 =	vnsel vm5, $0xF, v60;
	vm6 =	veq.s32 v52, v41;
	v52 =	vperm.xlane v41, v43  }
0x4d: {  	[tilespmem:$0x1FE90] =	vst v13;
	v46 =	vsel vm14, $0x1, v0;
	v34 =	vsel vm14, $0x0, v61;
	v61 =	vperm.xlane v41, v15  }
0x4e: {  	[tilespmem:$0x1FDF0] =	vst v15;
	vm14 =	vcmask $0x3B38;
	v15 =	vperm.xlane v41, v23;
	v13 =	vperm.xlane v41, v24  }
0x4f: {  	v21 =	vsel vm14, $0x4, v37;
	v37 =	vand.u32 $0x3, v40;
	v25 =	vsel vm14, $0x1, v42  }
0x50: {  	v40 =	vnsel vm7, $0xF, v50;
	v42 =	vsel vm11, $0x1, v0;
	vm7 =	veq.s32 v62, v41  }
0x51: {  	v50 =	vperm.xlane v41, v38;
	vm11 =	veq.s32 v39, v41;
	vm14 =	veq.s32 v49, v41  }
0x52: {  	vm8 =	veq.s32 v52, v41;
	v39 =	vperm.xlane v41, v28;
	vm5 =	veq.s32 v61, v41  }
0x53: {  	[tilespmem:$0x1FE30] =	vst v38;
	v33 =	vnsel vm7, $0x0, v59;
	v38 =	vperm.xlane v41, v21;
	vm13 =	veq.s32 v15, v41  }
0x54: {  	[tilespmem:$0x1FEC0] =	vst v43;
	v15 =	vnsel vm14, $0x0, v47;
	v43 =	vperm.xlane v41, v25;
	vm10 =	veq.s32 v13, v41  }
0x55: {  	[tilespmem:$0x1FEA0] =	vst v45;
	v61 =	vld [tilespmem:$0x1FEF0];
	v45 =	vnsel vm11, $0x0, v14;
	vm3 =	veq.s32 v50, v41;
	v60 =	vadd.s32 v54, v33  }
0x56: {  	[tilespmem:$0x1FE60] =	vst v23;
	v54 =	vperm.xlane v41, v27;
	v33 =	vperm.xlane v41, v51;
	v60 =	vadd.s32 v15, v60;
	v15 =	vld [tilespmem:$0x1FF00]  }
0x57: {  	v23 =	vmovc v51;
	v50 =	vnsel vm5, $0x0, v16;
	v52 =	vmovc v1;
	v51 =	vperm.xlane v41, v1;
	v1 =	vperm.xlane v41, v44  }
0x58: {  	vm5 =	veq.s32 v38, v41;
	vm7 =	veq.s32 v54, v41;
	v60 =	vadd.s32 v50, v60  }
0x59: {  	v54 =	vnsel vm4, $0x0, v20;
	vm4 =	veq.s32 v33, v41;
	v50 =	vnsel vm6, $0x0, v18  }
0x5a: {  	[tilespmem:$0x1FE70] =	vst v59;
	v58 =	vadd.s32 v54, v60;
	v13 =	vnsel vm12, $0x0, v61;
	vm12 =	veq.s32 v51, v41  }
0x5b: {  	[tilespmem:$0x1FEE0] =	vst v24;
	v38 =	vmovc v20;
	v59 =	vnsel vm12, $0x0, v3;
	v33 =	vnsel vm4, $0x0, v15;
	vm4 =	veq.s32 v43, v41  }
0x5c: {  	v54 =	vmovc v32;
	v24 =	vmovc v15;
	v15 =	vperm.xlane v41, v32;
	v32 =	vnsel vm9, $0x0, v55;
	vm9 =	veq.s32 v1, v41  }
0x5d: {  	v20 =	vmovc v61;
	v43 =	vperm.xlane v41, v36;
	v1 =	vperm.xlane v41, v40;
	v61 =	vadd.s32 v13, v33  }
0x5e: {  	v51 =	vmovc v44;
	v13 =	vnsel vm13, $0x0, v53;
	vm13 =	veq.s32 v39, v41;
	v39 =	vperm.xlane v41, v4  }
0x5f: {  	v44 =	vmovc v53;
	v53 =	vmovc v3;
	v3 =	vperm.xlane v41, v31;
	v58 =	vadd.s32 v13, v58;
	v33 =	vnsel vm13, $0x0, v46  }
0x60: {  	v49 =	vmovc v46;
	v61 =	vadd.s32 v32, v61;
	vm13 =	veq.s32 v15, v41;
	v46 =	vperm.xlane v41, v29  }
0x61: {  	v30 =	vmovc v47;
	vm6 =	veq.s32 v43, v41;
	vm15 =	veq.s32 v1, v41;
	v13 =	vnsel vm10, $0x0, v26  }
0x62: {  	[tilespmem:$0x1FDE0] =	vst v19;
	v15 =	vperm.xlane v41, v37;
	v58 =	vadd.s32 v33, v58;
	v61 =	vadd.s32 v45, v61  }
0x63: {  	v56 =	vmovc v4;
	v32 =	vmovc v14;
	vm11 =	veq.s32 v39, v41;
	v14 =	vnsel vm7, $0x0, v42;
	vm14 =	veq.s32 v3, v41  }
0x64: {  	v22 =	vmovc v35;
	v19 =	vmovc v9;
	v3 =	vnsel vm13, $0x0, v34;
	v58 =	vadd.s32 v59, v58;
	v61 =	vadd.s32 v50, v61  }
0x65: {  	p1 =	sgt.u32 s3, $0x1;
	s8 =	simm.s32 $0x1;
	[tilespmem:$0x1FE80] =	vst v21;
	v21 =	vmovc v7;
	v59 =	vmovc v40;
	vm12 =	veq.s32 v46, v41;
	v4 =	vnsel vm11, $0x0, v7;
	v7 =	vnsel vm8, $0x0, v57  }
0x66: {  	s9 =	simm.s32 $0x1;
	s10 =	simm.s32 $0x1;
	s11 =	simm.s32 $0x1;
	[tilespmem:$0x1FED0] =	vst v27;
	v40 =	vmovc v57;
	v50 =	vmovc v5;
	v57 =	vnsel vm9, $0x0, v5;
	v5 =	vnsel vm15, $0x0, v2;
	vm15 =	veq.s32 v15, v41  }
0x67: {  	s12 =	simm.s32 $0x1;
	p2 =	sgt.u32 s3, $0x6;
	s7 =	simm.s32 $0x1;
	v27 =	vmovc v25;
	v25 =	vmovc v37;
	v58 =	vadd.s32 v4, v58;
	v61 =	vadd.s32 v7, v61;
	v1 =	vnsel vm12, $0x0, v35  }
0x68: {  	s8 =	simm.s32 @!p1 $0x0;
	p1 =	sgt.u32 s3, $0x2;
	s7 =	simm.s32 @!p0 $0x0;
	[tilespmem:$0x1FEB0] =	vst v16;
	v37 =	vmovc v8;
	v45 =	vmovc v29;
	v4 =	vnsel vm5, $0x0, v8;
	v7 =	vperm.xlane v41, v48;
	v8 =	vnsel vm6, $0x0, v11  }
0x69: {  	s13 =	simm.s32 $0x1;
	s9 =	simm.s32 @!p1 $0x0;
	p1 =	sgt.u32 s3, $0x3;
	[tilespmem:$0x1FE40] =	vst v17;
	v29 =	vmovc v31;
	v31 =	vmovc v6;
	v15 =	vnsel vm15, $0x0, v6;
	v35 =	vimm.s32 $0x1;
	v6 =	vmov s7  }
0x6a: {  	s14 =	simm.s32 $0x1;
	s10 =	simm.s32 @!p1 $0x0;
	p1 =	sgt.u32 s3, $0x4;
	v46 =	vmovc v26;
	v58 =	vadd.s32 v14, v58;
	v60 =	vadd.s32 v13, v61;
	v26 =	vmovc v11;
	v11 =	vnsel vm14, $0x0, v9  }
0x6b: {  	s15 =	simm.s32 $0x1;
	s11 =	simm.s32 @!p1 $0x0;
	p1 =	sgt.u32 s3, $0x5;
	v47 =	vmovc v28;
	v28 =	vmovc v55;
	v13 =	vperm.xlane v41, v0;
	v14 =	vnsel vm3, $0x0, v10;
	[tilespmem:$0x1FF10] =	vst v6;
	v9 =	vmov s10  }
0x6c: {  	s16 =	simm.s32 $0x1;
	s12 =	simm.s32 @!p1 $0x0;
	p1 =	sgt.u32 s3, $0x7;
	v55 =	vmovc v34;
	v34 =	vmovc v10;
	v61 =	vsel vm1, $0x0, v35;
	v10 =	vmov s11;
	v60 =	vadd.s32 v57, v60;
	[tilespmem:$0x1FF40] =	vst v9  }
0x6d: {  	s13 =	simm.s32 @!p2 $0x0;
	p2 =	sgt.u32 s3, $0x8;
	s14 =	simm.s32 @!p1 $0x0;
	v58 =	vadd.s32 v1, v58;
	vm3 =	veq.s32 v7, v41;
	v7 =	vmov s8;
	[tilespmem:$0x1FF50] =	vst v10  }
0x6e: {  	s17 =	simm.s32 $0x1;
	s15 =	simm.s32 @!p2 $0x0;
	p2 =	sgt.u32 s3, $0xA;
	v58 =	vadd.s32 v5, v58;
	vm1 =	veq.s32 v13, v41;
	[tilespmem:$0x1FF20] =	vst v7;
	v13 =	vmov s14  }
0x6f: {  	s4 =	simm.s32 $0x1000;
	s17 =	simm.s32 @!p2 $0x0;
	p1 =	sgt.u32 s3, $0x9;
	v60 =	vadd.s32 v3, v60;
	v58 =	vadd.s32 v11, v58;
	v11 =	vmov s12;
	[tilespmem:$0x1FF80] =	vst v13  }
0x70: {  	p2 =	sgt.u32 s3, $0xC;
	s16 =	simm.s32 @!p1 $0x0;
	s8 =	simm.s32 $0x1;
	v35 =	vmovc v12;
	v60 =	vadd.s32 v4, v60;
	v4 =	vnsel vm3, $0x0, v12;
	v12 =	vmov s13;
	[tilespmem:$0x1FF60] =	vst v11  }
0x71: {  	v43 =	vld.idx.msk [tilespmem:v41+s4+$0x0], $0xffff;
	v39 =	vmovc v42;
	v42 =	vmovc v2;
	s10 =	simm.s32 $0x1;
	v2 =	vnsel vm4, $0x0, v61;
	s8 =	simm.s32 @!p2 $0x0;
	p2 =	seq.s32 s3, $0xF;
	v60 =	vadd.s32 v8, v60;
	v8 =	vmov s9;
	[tilespmem:$0x1FF70] =	vst v12  }
0x72: {  	p1 =	sgt.u32 s3, $0xB;
	s7 =	simm.s32 $0x1;
	s10 =	simm.s32 @!p2 $0x0;
	v58 =	vadd.s32 v14, v58;
	v14 =	vmov s15;
	v57 =	vadd.s32 v15, v60;
	[tilespmem:$0x1FF30] =	vst v8  }
0x73: {  	v62 =	vsel vm0, $0xFFFFFFFF, v0;
	s7 =	simm.s32 @!p1 $0x0;
	p1 =	sgt.u32 s3, $0xD;
	s9 =	simm.s32 $0x1;
	v63 =	vmov s10;
	[tilespmem:$0x1FF90] =	vst v14;
	v57 =	vadd.s32 v2, v57  }
0x74: {  	v5 =	vnsel vm1, $0x0, v48;
	v15 =	vmov s16;
	s9 =	simm.s32 @!p1 $0x0;
	[tilespmem:$0x1FFF0] =	vst v63;
	v57 =	vadd.s32 v4, v57  }
0x75: {  	v3 =	vnsel vm2, $0x0, v62;
	[tilespmem:$0x1FFA0] =	vst v15;
	v60 =	vmov s9;
	v57 =	vadd.s32 v5, v57  }
0x76: {  	vm0 =	veq.s32 v58, v3;
	[tilespmem:$0x1FFE0] =	vst v60;
	v58 =	vadd.s32 v43, v57;
	v43 =	vmov s17  }
0x77: {  	v57 =	vmov s7;
	[tilespmem:$0x1FFB0] =	vst v43  }
0x78: {  	[tilespmem:$0x1FFC0] =	vst v57  }
0x79: {  	s31 =	sshrl.u32 s5, $0x2;
	v57 =	vadd.s32 $0x1, v58;
	[tilespmem:s30+$0x800] =	vst v58;
	v58 =	vmov s8  }
0x7a: {  	s2 =	sadd.s32 s2, s5;
	s5 =	simm.s32 $0x40;
	v33 =	vmov v36;
	v36 =	vmov v18;
	s3 =	sadd.s32 s31, s1;
	[tilespmem:$0x1FFD0] =	vst v58  }
.LBB2_2:
0x7b: {  	_ = 	snop  }
0x7c: {  	s6 =	sshra.s32 s5, $0x2;
	[tilespmem:v41+s4+$0x0] =	vst.idx.msk vm0, v57;
	v0 =	vld [tilespmem:$0x1FDD0]  }
0x7d: {  	v41 =	vld [tilespmem:s6+$0x0]  }
0x7e: {  	v7 =	vld [tilespmem:$0x1FDE0]  }
0x7f: {  	v8 =	vld [tilespmem:$0x1FDF0]  }
0x80: {  	v3 =	vld [tilespmem:$0x1FE10]  }
0x81: {  	v4 =	vld [tilespmem:$0x1FE20]  }
0x82: {  	v6 =	vimm.s32 $0x0;
	v1 =	vld [tilespmem:$0x1FE50];
	v58 =	vperm.xlane v41, v0  }
0x83: {  	v11 =	vld [tilespmem:$0x1FE00];
	v63 =	vperm.xlane v41, v6;
	v60 =	vperm.xlane v41, v7  }
0x84: {  	v10 =	vimm.s32 $0xF;
	v57 =	vperm.xlane v41, v48;
	v9 =	vperm.xlane v41, v8;
	v7 =	vld [tilespmem:$0x1FE30]  }
0x85: {  	v12 =	vld [tilespmem:$0x1FEB0];
	v0 =	vperm.xlane v41, v10;
	v2 =	vperm.xlane v41, v27  }
0x86: {  	v15 =	vld [tilespmem:$0x1FE60];
	v3 =	vperm.xlane v41, v3;
	v13 =	vperm.xlane v41, v4  }
0x87: {  	v5 =	vperm.xlane v41, v29;
	v6 =	vperm.xlane v41, v25;
	vm0 =	veq.s32 v58, v41  }
0x88: {  	v14 =	vld [tilespmem:$0x1FED0];
	v10 =	vperm.xlane v41, v56;
	vm1 =	veq.s32 v0, v41;
	v43 =	vnsel vm0, $0x0, v1  }
0x89: {  	v1 =	vperm.xlane v41, v11;
	vm0 =	veq.s32 v9, v41;
	v9 =	vld [tilespmem:$0x1FE40];
	v7 =	vperm.xlane v41, v7  }
0x8a: {  	v58 =	vnsel vm1, $0x0, v62;
	vm1 =	veq.s32 v13, v41;
	v11 =	vld [tilespmem:$0x1FE70];
	v0 =	vnsel vm0, $0x0, v12  }
0x8b: {  	vm0 =	veq.s32 v60, v41;
	vm3 =	veq.s32 v7, v41;
	v7 =	vperm.xlane v41, v15;
	v15 =	vld [tilespmem:$0x1FEC0]  }
0x8c: {  	v13 =	vld [tilespmem:$0x1FE80];
	v60 =	vperm.xlane v41, v33;
	v8 =	vnsel vm1, $0x0, v20;
	v12 =	vperm.xlane v41, v52  }
0x8d: {  	vm1 =	veq.s32 v3, v41;
	v3 =	vperm.xlane v41, v54;
	v4 =	vnsel vm0, $0x0, v38  }
0x8e: {  	vm0 =	veq.s32 v1, v41;
	v1 =	vperm.xlane v41, v14;
	v14 =	vld [tilespmem:$0x1FE90];
	vm14 =	veq.s32 v12, v41  }
0x8f: {  	v12 =	vperm.xlane v41, v23;
	v11 =	vnsel vm0, $0x0, v11;
	vm0 =	veq.s32 v7, v41;
	v7 =	vld [tilespmem:$0x1FEE0]  }
0x90: {  	v9 =	vperm.xlane v41, v9;
	v15 =	vperm.xlane v41, v15  }
0x91: {  	v13 =	vperm.xlane v41, v13;
	v11 =	vadd.s32 v43, v11;
	v43 =	vnsel vm1, $0x0, v28  }
0x92: {  	vm5 =	veq.s32 v15, v41;
	v15 =	vnsel vm3, $0x0, v34;
	vm3 =	veq.s32 v1, v41;
	v1 =	vld [tilespmem:$0x1FEA0]  }
0x93: {  	vm2 =	veq.s32 v9, v41;
	v9 =	vperm.xlane v41, v45;
	v14 =	vperm.xlane v41, v14  }
0x94: {  	vm4 =	veq.s32 v13, v41;
	v13 =	vperm.xlane v41, v51;
	v7 =	vperm.xlane v41, v7  }
0x95: {  	v16 =	vnsel vm0, $0x0, v44;
	v17 =	vnsel vm4, $0x0, v37;
	vm1 =	veq.s32 v14, v41  }
0x96: {  	v14 =	vperm.xlane v41, v47;
	vm15 =	veq.s32 v13, v41;
	vm0 =	veq.s32 v7, v41  }
0x97: {  	v18 =	vnsel vm5, $0x0, v40;
	v7 =	vnsel vm0, $0x0, v46;
	v1 =	vperm.xlane v41, v1  }
0x98: {  	vm0 =	veq.s32 v2, v41;
	v2 =	vnsel vm2, $0x0, v36;
	vm2 =	veq.s32 v14, v41  }
0x99: {  	v14 =	vnsel vm2, $0x0, v49;
	vm2 =	veq.s32 v3, v41;
	vm6 =	veq.s32 v1, v41  }
0x9a: {  	v1 =	vnsel vm3, $0x0, v39;
	vm3 =	veq.s32 v12, v41;
	v13 =	vnsel vm6, $0x0, v30  }
0x9b: {  	v12 =	vnsel vm3, $0x0, v24;
	v3 =	vadd.s32 v13, v11;
	v11 =	vnsel vm14, $0x0, v53  }
0x9c: {  	v13 =	vnsel vm2, $0x0, v55;
	vm2 =	veq.s32 v10, v41;
	v8 =	vadd.s32 v8, v12  }
0x9d: {  	v10 =	vnsel vm1, $0x0, v32;
	v12 =	vperm.xlane v41, v59;
	vm1 =	veq.s32 v9, v41  }
0x9e: {  	v0 =	vadd.s32 v0, v3;
	v3 =	vnsel vm2, $0x0, v21;
	vm2 =	veq.s32 v60, v41  }
0x9f: {  	v8 =	vadd.s32 v43, v8;
	v0 =	vadd.s32 v4, v0;
	v4 =	vnsel vm15, $0x0, v50  }
0xa0: {  	v60 =	vnsel vm2, $0x0, v26;
	v8 =	vadd.s32 v10, v8;
	v0 =	vadd.s32 v16, v0  }
0xa1: {  	vm2 =	veq.s32 v12, v41;
	v2 =	vadd.s32 v2, v8;
	v0 =	vadd.s32 v14, v0  }
0xa2: {  	v10 =	vnsel vm2, $0x0, v42;
	v2 =	vadd.s32 v18, v2;
	v0 =	vadd.s32 v11, v0  }
0xa3: {  	v2 =	vadd.s32 v7, v2;
	v11 =	vnsel vm1, $0x0, v22;
	v0 =	vadd.s32 v3, v0  }
0xa4: {  	vm1 =	veq.s32 v5, v41;
	v2 =	vadd.s32 v4, v2;
	v0 =	vadd.s32 v1, v0  }
0xa5: {  	v12 =	vnsel vm1, $0x0, v19;
	vm1 =	veq.s32 v57, v41;
	v0 =	vadd.s32 v11, v0  }
0xa6: {  	v2 =	vadd.s32 v13, v2;
	v13 =	vnsel vm0, $0x0, v61;
	v0 =	vadd.s32 v10, v0  }
0xa7: {  	vm0 =	veq.s32 v6, v41;
	v2 =	vadd.s32 v17, v2;
	v0 =	vadd.s32 v12, v0  }
0xa8: {  	v43 =	vnsel vm0, $0x0, v31;
	v2 =	vadd.s32 v60, v2;
	v0 =	vadd.s32 v15, v0;
	v15 =	vld.idx.msk [tilespmem:v41+s4+$0x0], $0xffff  }
0xa9: {  	p1 =	sne.s32 s5, $0x1FC0;
	v57 =	vnsel vm1, $0x0, v35;
	v60 =	vadd.s32 v43, v2  }
.Ltmp1:
0xaa: {  	vm1 =	veq.s32 v63, v41;
	vm0 =	veq.s32 v0, v58;
	v0 =	vadd.s32 v13, v60;
	(pc) =	sbr.rel @p1 .LBB2_2-.Ltmp1, $4  }
0xab: {  	v63 =	vnsel vm1, $0x0, v48;
	v0 =	vadd.s32 v57, v0  }
0xac: {  	v0 =	vadd.s32 v63, v0  }
0xad: {  	v0 =	vadd.s32 v15, v0  }
0xae: {  	s5 =	sadd.s32 $0x40, s5;
	[tilespmem:s6+$0x800] =	vst v0;
	v57 =	vadd.s32 $0x1, v0  }
0xaf: {  	_ =	sdelay $0x4  }
0xb0: {  	[tilespmem:v41+s4+$0x0] =	vst.idx.msk vm0, v57;
	s29 =	simm.s32 $0x1000;
	s30 =	simm.s32 $0x1  }
0xb1: {  	[spmem:s3] =	stream.linear.scatter [tilespmem:s29], [sflag:$0x1], $0x40, $0x38;
	[tilespmem:$0x1540] =	vst v63  }
0xb2: {  	_ =	swait.ge [sflag:s30], $0x40  }
0xb3: {  	[sflag:s30] =	ssyncset.done $0x0  }
0xb4: {  	[sflag:s30] =	ssyncadd.s32 $0xFFFFFFC0  }
0xb5: {  	s31 =	simm.s32 $0x1080;
	[bflag:$0x0] =	sbarrier.arrive $0xFFFF  }
0xb6: {  	[tilespmem:s31], [sflag:$0x1] =	stream.linear.gather [spmem:s1], $0x400, $0x38;
	[tilespmem:$0x1540] =	vst v63  }
0xb7: {  	_ =	swait.ge [sflag:s30], $0x400  }
0xb8: {  	v34 =	vld [tilespmem:$0x1FF10]  }
0xb9: {  	v35 =	vld [tilespmem:$0x1FF20]  }
0xba: {  	v36 =	vld [tilespmem:$0x1FF30]  }
0xbb: {  	v37 =	vld [tilespmem:$0x1FF40]  }
0xbc: {  	v38 =	vld [tilespmem:$0x1FF50]  }
0xbd: {  	v33 =	vld [tilespmem:$0x1FF60]  }
0xbe: {  	v31 =	vld [tilespmem:$0x1FF70]  }
0xbf: {  	v32 =	vld [tilespmem:$0x1FF80]  }
0xc0: {  	v30 =	vld [tilespmem:$0x1FF90]  }
0xc1: {  	v27 =	vld [tilespmem:$0x1FFA0]  }
0xc2: {  	v28 =	vld [tilespmem:$0x1FFB0]  }
0xc3: {  	[sflag:s30] =	ssyncset.done $0x0;
	v26 =	vld [tilespmem:$0x1FFC0]  }
0xc4: {  	v29 =	vld [tilespmem:$0x1FFD0];
	[sflag:s30] =	ssyncadd.s32 $0xFFFFFC00  }
0xc5: {  	v0 =	vld [tilespmem:$0x1080]  }
0xc6: {  	v1 =	vld [tilespmem:$0x10C0]  }
0xc7: {  	v2 =	vld [tilespmem:$0x1100]  }
0xc8: {  	v3 =	vld [tilespmem:$0x1140]  }
0xc9: {  	v4 =	vld [tilespmem:$0x1180]  }
0xca: {  	v5 =	vld [tilespmem:$0x11C0]  }
0xcb: {  	v6 =	vld [tilespmem:$0x1200]  }
0xcc: {  	v7 =	vld [tilespmem:$0x1240]  }
0xcd: {  	v8 =	vld [tilespmem:$0x1280]  }
0xce: {  	v9 =	vld [tilespmem:$0x12C0]  }
0xcf: {  	v10 =	vld [tilespmem:$0x1300]  }
0xd0: {  	v11 =	vld [tilespmem:$0x1340]  }
0xd1: {  	v12 =	vld [tilespmem:$0x1380]  }
0xd2: {  	v13 =	vld [tilespmem:$0x13C0]  }
0xd3: {  	v14 =	vld [tilespmem:$0x1400]  }
0xd4: {  	v15 =	vld [tilespmem:$0x1090]  }
0xd5: {  	v16 =	vld [tilespmem:$0x10D0]  }
0xd6: {  	v17 =	vld [tilespmem:$0x1110]  }
0xd7: {  	v18 =	vld [tilespmem:$0x1150]  }
0xd8: {  	v19 =	vld [tilespmem:$0x1190]  }
0xd9: {  	v20 =	vld [tilespmem:$0x11D0]  }
0xda: {  	v21 =	vld [tilespmem:$0x1210]  }
0xdb: {  	v22 =	vld [tilespmem:$0x1250]  }
0xdc: {  	v23 =	vld [tilespmem:$0x1290]  }
0xdd: {  	v24 =	vld [tilespmem:$0x12D0]  }
0xde: {  	v25 =	vld [tilespmem:$0x1310]  }
0xdf: {  	v62 =	vld [tilespmem:$0x1390];
	v0 =	vmul.u32 v34, v0;
	v1 =	vmul.u32 v35, v1  }
0xe0: {  	v63 =	vld [tilespmem:$0x13D0];
	v2 =	vmul.u32 v36, v2  }
0xe1: {  	v39 =	vld [tilespmem:$0x10A0];
	v0 =	vadd.s32 v0, v1;
	v1 =	vmul.u32 v37, v3  }
0xe2: {  	v40 =	vld [tilespmem:$0x10E0];
	v0 =	vadd.s32 v2, v0;
	v2 =	vmul.u32 v38, v4  }
0xe3: {  	v42 =	vld [tilespmem:$0x1120];
	v0 =	vadd.s32 v1, v0;
	v1 =	vmul.u32 v33, v5  }
0xe4: {  	v43 =	vld [tilespmem:$0x1160];
	v0 =	vadd.s32 v2, v0;
	v2 =	vmul.u32 v31, v6  }
0xe5: {  	v45 =	vld [tilespmem:$0x11A0];
	v0 =	vadd.s32 v1, v0;
	v1 =	vmul.u32 v32, v7  }
0xe6: {  	v46 =	vld [tilespmem:$0x11E0];
	v0 =	vadd.s32 v2, v0;
	v2 =	vmul.u32 v30, v8  }
0xe7: {  	v48 =	vld [tilespmem:$0x1220];
	v41 =	vmul.u32 v35, v16;
	v0 =	vadd.s32 v1, v0;
	v1 =	vmul.u32 v34, v15  }
0xe8: {  	v49 =	vld [tilespmem:$0x1260];
	v0 =	vadd.s32 v2, v0;
	v2 =	vmul.u32 v36, v17  }
0xe9: {  	v51 =	vld [tilespmem:$0x12A0];
	v9 =	vmul.u32 v27, v9;
	v44 =	vmul.u32 v37, v18;
	v1 =	vadd.s32 v1, v41  }
0xea: {  	v54 =	vld [tilespmem:$0x1320];
	v10 =	vmul.u32 v28, v10;
	v1 =	vadd.s32 v2, v1;
	v2 =	vmul.u32 v38, v19  }
0xeb: {  	v60 =	vld [tilespmem:$0x10F0];
	v47 =	vmul.u32 v33, v20;
	v11 =	vmul.u32 v26, v11;
	v1 =	vadd.s32 v44, v1  }
0xec: {  	v50 =	vmul.u32 v32, v22;
	v3 =	vld [tilespmem:$0x1350];
	v1 =	vadd.s32 v2, v1;
	v2 =	vmul.u32 v31, v21  }
0xed: {  	v52 =	vld [tilespmem:$0x12E0];
	v12 =	vmul.u32 v29, v12;
	v53 =	vmul.u32 v27, v24;
	v1 =	vadd.s32 v47, v1  }
0xee: {  	v57 =	vmul.u32 v35, v40;
	v22 =	vld [tilespmem:$0x1FFF0];
	v1 =	vadd.s32 v2, v1;
	v2 =	vmul.u32 v30, v23  }
0xef: {  	v58 =	vmul.u32 v37, v43;
	v61 =	vmul.u32 v33, v46;
	v6 =	vld [tilespmem:$0x1410];
	v1 =	vadd.s32 v50, v1  }
0xf0: {  	v55 =	vld [tilespmem:$0x1360];
	v40 =	vmul.u32 v35, v60;
	v1 =	vadd.s32 v2, v1;
	v2 =	vmul.u32 v28, v25  }
0xf1: {  	v56 =	vld [tilespmem:$0x13A0];
	v46 =	vmul.u32 v28, v54;
	v3 =	vmul.u32 v26, v3;
	v1 =	vadd.s32 v53, v1  }
0xf2: {  	v4 =	vmul.u32 v29, v62;
	v23 =	vld [tilespmem:$0x1FFE0];
	v1 =	vadd.s32 v2, v1;
	v2 =	vmul.u32 v34, v39  }
0xf3: {  	v59 =	vld [tilespmem:$0x10B0];
	v14 =	vmul.u32 v22, v14;
	v1 =	vadd.s32 v3, v1;
	v3 =	vmul.u32 v36, v42  }
0xf4: {  	v24 =	vld [tilespmem:$0x11B0];
	v0 =	vadd.s32 v9, v0;
	v6 =	vmul.u32 v22, v6;
	v2 =	vadd.s32 v2, v57  }
0xf5: {  	v43 =	vld [tilespmem:$0x12B0];
	v0 =	vadd.s32 v10, v0;
	v2 =	vadd.s32 v3, v2;
	v3 =	vmul.u32 v38, v45  }
0xf6: {  	v62 =	vld [tilespmem:$0x1130];
	v0 =	vadd.s32 v11, v0;
	v44 =	vmul.u32 v27, v52;
	v2 =	vadd.s32 v58, v2  }
0xf7: {  	v5 =	vmul.u32 v23, v63;
	v63 =	vld [tilespmem:$0x1170];
	v2 =	vadd.s32 v3, v2;
	v3 =	vmul.u32 v31, v48  }
0xf8: {  	v8 =	vld [tilespmem:$0x13E0];
	v52 =	vmul.u32 v26, v55;
	v55 =	vmul.u32 v29, v56;
	v2 =	vadd.s32 v61, v2  }
0xf9: {  	v0 =	vadd.s32 v12, v0;
	v25 =	vld [tilespmem:$0x11F0];
	v2 =	vadd.s32 v3, v2;
	v3 =	vmul.u32 v32, v49  }
0xfa: {  	v41 =	vld [tilespmem:$0x1230];
	v53 =	vmul.u32 v30, v43;
	v34 =	vmul.u32 v34, v59;
	v39 =	vmul.u32 v30, v51  }
0xfb: {  	v13 =	vmul.u32 v23, v13;
	v42 =	vld [tilespmem:$0x1270];
	v2 =	vadd.s32 v3, v2;
	v3 =	vmul.u32 v36, v62  }
0xfc: {  	v47 =	vld [tilespmem:$0x1330];
	v1 =	vadd.s32 v4, v1;
	v10 =	vadd.s32 v34, v40;
	v4 =	vmul.u32 v37, v63  }
0xfd: {  	v1 =	vadd.s32 v5, v1;
	v5 =	vmul.u32 v38, v24;
	v45 =	vld [tilespmem:$0x12F0];
	v3 =	vadd.s32 v3, v10  }
0xfe: {  	v51 =	vld [tilespmem:$0x13B0];
	v60 =	vmul.u32 v23, v8;
	v7 =	vmul.u32 v33, v25;
	v3 =	vadd.s32 v4, v3  }
0xff: {  	v0 =	vadd.s32 v13, v0;
	v48 =	vmul.u32 v31, v41;
	v49 =	vld [tilespmem:$0x1370];
	v3 =	vadd.s32 v5, v3  }
0x100: {  	v54 =	vld [tilespmem:$0x13F0];
	v0 =	vadd.s32 v14, v0;
	v50 =	vmul.u32 v32, v42;
	v3 =	vadd.s32 v7, v3  }
0x101: {  	v13 =	vld [tilespmem:$0x1420];
	v1 =	vadd.s32 v6, v1;
	v58 =	vmul.u32 v28, v47;
	v3 =	vadd.s32 v48, v3  }
0x102: {  	v57 =	vld [tilespmem:$0x1430];
	v56 =	vmul.u32 v27, v45;
	v2 =	vadd.s32 v39, v2;
	v3 =	vadd.s32 v50, v3  }
0x103: {  	v61 =	vmul.u32 v29, v51;
	v2 =	vadd.s32 v44, v2;
	v3 =	vadd.s32 v53, v3  }
0x104: {  	v2 =	vadd.s32 v46, v2;
	v59 =	vmul.u32 v26, v49;
	v3 =	vadd.s32 v56, v3  }
0x105: {  	v63 =	vmul.u32 v23, v54;
	v2 =	vadd.s32 v52, v2;
	v3 =	vadd.s32 v58, v3  }
0x106: {  	v62 =	vmul.u32 v22, v13;
	v2 =	vadd.s32 v55, v2;
	v3 =	vadd.s32 v59, v3  }
0x107: {  	[tilespmem:$0x1480] =	vst v0;
	v0 =	vadd.s32 v60, v2;
	v2 =	vadd.s32 v61, v3;
	v3 =	vmul.u32 v22, v57  }
0x108: {  	[tilespmem:$0x1490] =	vst v1;
	v0 =	vadd.s32 v62, v0;
	v1 =	vadd.s32 v63, v2  }
0x109: {  	[tilespmem:$0x14A0] =	vst v0;
	v0 =	vadd.s32 v3, v1  }
0x10a: {  	s3 =	simm.s32 $0x0;
	[tilespmem:$0x14B0] =	vst v0  }
0x10b: {  	v1 =	vld [tilespmem:s3+$0x0];
	_ =	sdelay $0x5  }
0x10c: {  	s1 =	simm.s32 $0x10  }
0x10d: {  	s4 =	simm.s32 $0x1480;
	v0 =	vld [tilespmem:s1+$0x0]  }
0x10e: {  	s5 =	simm.s32 $0x80;
	v1 =	vld.idx.msk [tilespmem:v1+s4+$0x0], $0xffff  }
.LBB2_4:
0x10f: {  	p1 =	sne.s32 s5, $0x1FC0;
	v2 =	vld [tilespmem:s3+$0x800];
	_ =	sdelay $0x2  }
0x110: {  	v3 =	vmov v0  }
.Ltmp2:
0x111: {  	(pc) =	sbr.rel @p1 .LBB2_4-.Ltmp2, $4  }
0x112: {  	v0 =	vadd.s32 v2, v1  }
0x113: {  	[tilespmem:s3+$0x800] =	vst v0;
	s3 =	smov.u32 s1;
	s1 =	sshra.s32 s5, $0x2  }
0x114: {  	v0 =	vld [tilespmem:s1+$0x0]  }
0x115: {  	s5 =	sadd.s32 $0x40, s5;
	v1 =	vld.idx.msk [tilespmem:v3+s4+$0x0], $0xffff  }
0x116: {  	v2 =	vld [tilespmem:s3+$0x800];
	_ =	sdelay $0x4  }
0x117: {  	v1 =	vadd.s32 v2, v1  }
0x118: {  	[tilespmem:s3+$0x800] =	vst v1  }
0x119: {  	v0 =	vld.idx.msk [tilespmem:v0+s4+$0x0], $0xffff  }
0x11a: {  	v1 =	vld [tilespmem:s1+$0x800];
	_ =	sdelay $0x4  }
0x11b: {  	v0 =	vadd.s32 v1, v0  }
0x11c: {  	s29 =	simm.s32 $0x0;
	s30 =	simm.s32 $0x800;
	s31 =	simm.s32 $0x1;
	[tilespmem:s1+$0x800] =	vst v0  }
0x11d: {  	[hbm4b:s2+s29] =	stream.linear.scatter [tilespmem:s30], [sflag:$0x1], $0x800, $0x38;
	[tilespmem:$0x1540] =	vst v63  }
0x11e: {  	_ =	swait.ge [sflag:s31], $0x800  }
0x11f: {  	[sflag:s31] =	ssyncset.done $0x0  }
0x120: {  	[sflag:s31] =	ssyncadd.s32 $0xFFFFF800  }
.LBB2_6:
0x121: {  	_ =	sfence.sel $0x180000  }
0x122: {  	[bflag:$0x0] =	sbarrier.arrive $0xFFFF  }
0x123: {  	_ =	strace $0x90000047  }
0x124: {  	s0 =	sadd.s32 @!p0 $0x100000, s0;
	[bflag:$0x2] =	sbarrier.arrive $0xFFFF  }
0x125: {  	[sflag:s0] =	ssyncadd.tile.s32 @!p0 $0x1;
	_ =	shalt  }
.Lfunc_end2:
_tile_overlayer_lowered:
.L_overlay_start_2:
0x126: {  	(tag) =	ssettag $0x2  }
0x127: {  	s0 =	rddreg [dreg:$0x0];
	s2 =	stileid.u32  }
0x128: {  	s1 =	rddreg [dreg:$0x1];
	p0 =	sne.s32 s2, $0x0  }
0x129: {  	s3 =	rddreg [dreg:$0x2];
	[bflag:$0x3] =	sbarrier.arrive $0xFFFF;
	s2 =	simm.s32 @!p0 $0x1C01  }
0x12a: {  	[timem:s3], [sflag:s2] =	dma.local @!p0 [hbm:s0], s1  }
0x12b: {  	s0 =	simm.s32 @!p0 $0x1  }
0x12c: {  	_ =	swait.ge @!p0 [sflag:s0], s1  }
0x12d: {  	s1 =	ssub.s32 @!p0 $0x0, s1;
	[sflag:s0] =	ssyncset.done @!p0 $0x0  }
0x12e: {  	[sflag:s0] =	ssyncadd.s32 @!p0 s1  }
0x12f: {  	[bflag:$0x3] =	sbarrier.arrive $0xFFFF  }
0x130: {  	_ =	shalt  }

</sc_bundles>
